<compile_context>
chip_gen: v7x
topology: tpu7x:2x2x1
jax: 0.10.2.dev20260603
libtpu: 0.0.44.dev20260713+nightly
codegen_flags: <defaults>
</compile_context>

<pallas_src>
import functools

import jax
import jax.numpy as jnp
from jax import lax
from jax.experimental import pallas as pl
from jax.experimental.pallas import tpu as pltpu
from jax.experimental.pallas import tpu_sc as plsc

_N = 10000
_D = 128
_E = 320000
_NC = 2
_NS = 16
_NW = _NC * _NS
_EPW = _E // _NW
_K = 128
_NCH = 79
_EPWP = _NCH * _K
_NPAD = 10240
_RPT = _NPAD // _NS
_L = 16


def _sc_spmm(x, row, col, wgt):
  mesh = plsc.VectorSubcoreMesh(core_axis_name="c", subcore_axis_name="s")

  @functools.partial(
      pl.kernel,
      mesh=mesh,
      out_type=jax.ShapeDtypeStruct((_NC, _NPAD, _D), jnp.float32),
      scratch_types=[
          pltpu.VMEM((_NCH, _K), jnp.int32),
          pltpu.VMEM((_NCH, _K), jnp.int32),
          pltpu.VMEM((_NCH, _K), jnp.float32),
          pltpu.VMEM((_K, _D), jnp.float32),
          pltpu.VMEM_SHARED((_NPAD, _D), jnp.float32),
          pltpu.SemaphoreType.DMA,
      ],
  )
  def k(x_hbm, row_hbm, col_hbm, wgt_hbm, out_hbm,
        col_v, row_v, wgt_v, rows_v, acc_sh, sem):
    c = lax.axis_index("c")
    s = lax.axis_index("s")
    wid = c * _NS + s

    pltpu.sync_copy(col_hbm.at[wid], col_v)
    pltpu.sync_copy(row_hbm.at[wid], row_v)
    pltpu.sync_copy(wgt_hbm.at[wid], wgt_v)

    def zrow(i, carry):
      for j in range(_D // _L):
        rows_v[i, pl.ds(j * _L, _L)] = jnp.zeros((_L,), jnp.float32)
      return carry
    lax.fori_loop(0, _K, zrow, 0)
    for j in range(_RPT // _K):
      pltpu.sync_copy(rows_v, acc_sh.at[pl.ds(s * _RPT + j * _K, _K)])
    plsc.subcore_barrier()

    def chunk(ch, carry):
      pltpu.async_copy(x_hbm.at[col_v.at[ch]], rows_v, sem).wait()

      def grp(g, gc):
        wv = wgt_v[ch, pl.ds(g * _L, _L)]
        for i in range(_L):
          wb = lax.gather(
              wv, jnp.full((_L, 1), i, jnp.int32),
              lax.GatherDimensionNumbers(
                  offset_dims=(), collapsed_slice_dims=(0,),
                  start_index_map=(0,)),
              slice_sizes=(1,),
              mode=lax.GatherScatterMode.PROMISE_IN_BOUNDS)
          e = g * _L + i
          for j in range(_D // _L):
            rows_v[e, pl.ds(j * _L, _L)] = rows_v[e, pl.ds(j * _L, _L)] * wb
        return gc
      lax.fori_loop(0, _K // _L, grp, 0)

      pltpu.sync_copy(rows_v, acc_sh.at[row_v.at[ch]], add=True)
      return carry
    lax.fori_loop(0, _NCH, chunk, 0)

    plsc.subcore_barrier()
    pltpu.sync_copy(acc_sh.at[pl.ds(s * _RPT, _RPT)],
                    out_hbm.at[c, pl.ds(s * _RPT, _RPT)])

  return k(x, row, col, wgt)


_BR = 1000


def _tc_out(partials, W):
  def body(p_ref, w_ref, o_ref):
    acc = p_ref[0] + p_ref[1]
    o_ref[...] = jnp.maximum(
        jnp.dot(acc, w_ref[...], preferred_element_type=jnp.float32), 0.0)

  return pl.pallas_call(
      body,
      grid=(_N // _BR,),
      in_specs=[
          pl.BlockSpec((_NC, _BR, _D), lambda i: (0, i, 0)),
          pl.BlockSpec((_D, _D), lambda i: (0, 0)),
      ],
      out_specs=pl.BlockSpec((_BR, _D), lambda i: (i, 0)),
      out_shape=jax.ShapeDtypeStruct((_N, _D), jnp.float32),
  )(partials, W)


def kernel(x, edge_index, edge_weight, W):
  pad = _EPWP - _EPW
  row = jnp.pad(edge_index[0].reshape(_NW, _EPW), ((0, 0), (0, pad)),
                constant_values=_N).reshape(_NW, _NCH, _K)
  col = jnp.pad(edge_index[1].reshape(_NW, _EPW), ((0, 0), (0, pad)),
                constant_values=0).reshape(_NW, _NCH, _K)
  wgt = jnp.pad(edge_weight.reshape(_NW, _EPW), ((0, 0), (0, pad)),
                constant_values=0.0).reshape(_NW, _NCH, _K)
  partials = _sc_spmm(x, row, col, wgt)
  return _tc_out(partials, W)

# --- scband reference (transcript-rebuilt; emitter-appended) ---
"""Pipeline reference for scband-graph-convolution-23553600651524 (READ-ONLY COPY).

The authoritative reference and input builder live on the scoring server;
editing this copy changes nothing except your own understanding.
"""

import jax, jax.numpy as jnp
import numpy as np

N = 10000
E = 320000
D_IN = 128
D_OUT = 128


def setup_inputs(seed: int = 0) -> dict:
    key = jax.random.key(seed)
    k1, k2, k3, k4 = jax.random.split(key, 4)
    x = jax.random.normal(k1, (N, D_IN), dtype=jnp.float32)
    edge_index = jax.random.randint(k2, (2, E), 0, N, dtype=jnp.int32)
    edge_weight = jax.random.uniform(k3, (E,), dtype=jnp.float32)
    W = jax.random.normal(k4, (D_IN, D_OUT), dtype=jnp.float32)
    return {"x": x, "edge_index": edge_index, "edge_weight": edge_weight, "W": W}


def reference(x, edge_index, edge_weight, W):
    # GraphConvolution.forward with inputs=(x, support), eval mode (dropout no-op),
    # featureless=False, is_sparse_inputs handled by COO (edge_index, edge_weight)
    # representation of the sparse `support` matrix.
    # xw = x @ W  (dense mm)
    xw = jnp.matmul(x, W)
    # out = torch.sparse.mm(support, xw):
    # out[row] += edge_weight * xw[col]
    row = edge_index[0]
    col = edge_index[1]
    msgs = edge_weight[:, None] * jnp.take(xw, col, axis=0)
    out = jax.ops.segment_sum(msgs, row, num_segments=N)
    # bias=False; activation = relu
    return jax.nn.relu(out)

if __name__ == "__main__":
    import jax
    _d = setup_inputs()
    print(jax.jit(kernel)(*tuple(_d.values())))

</pallas_src>

<mosaic_0001>
#map = affine_map<(d0, d1) -> (0, 0)>
#map1 = affine_map<(d0, d1) -> (0, 0, 0)>
module attributes {stable_mosaic.version = 14 : i64} {
  func.func @k(%arg0: i32, %arg1: i32, %arg2: memref<10000x128xf32, #tpu.memory_space<hbm>>, %arg3: memref<32x79x128xi32, #tpu.memory_space<hbm>>, %arg4: memref<32x79x128xi32, #tpu.memory_space<hbm>>, %arg5: memref<32x79x128xf32, #tpu.memory_space<hbm>>, %arg6: memref<2x10240x128xf32, #tpu.memory_space<hbm>>, %arg7: memref<79x128xi32, #tpu.memory_space<vmem>>, %arg8: memref<79x128xi32, #tpu.memory_space<vmem>>, %arg9: memref<79x128xf32, #tpu.memory_space<vmem>>, %arg10: memref<128x128xf32, #tpu.memory_space<vmem>>, %arg11: memref<10240x128xf32, #tpu.memory_space<vmem_shared>>, %arg12: memref<!tpu.dma_semaphore, #tpu.memory_space<semaphore_mem>>) attributes {dimension_semantics = [#tpu.dimension_semantics<core_parallel>, #tpu.dimension_semantics<subcore_parallel>], iteration_bounds = array<i64: 2, 16>, scalar_prefetch = 0 : i64, scratch_operands = 6 : i64, tpu.core_type = #tpu.core_type<sc_vector_subcore>, window_params = [{transform_indices = #map}, {transform_indices = #map1}, {transform_indices = #map1}, {transform_indices = #map1}, {transform_indices = #map1}]} {
    %mul3A = arith.constant 16 : i32
    %mul3A_0 = arith.muli %arg0, %mul3A : i32
    %add3A = arith.addi %mul3A_0, %arg1 : i32
    "tpu.region"() ({
      %run_scoped3A = tpu.sem_alloc : memref<!tpu.dma_semaphore, #tpu.memory_space<semaphore_mem>>
      %dma_start3A = arith.constant 0 : i32
      %dma_start3A_37 = arith.constant 0 : i32
      %dma_start3A_38 = tpu.memref_slice %arg4[%add3A, %dma_start3A, %dma_start3A_37] : memref<32x79x128xi32, #tpu.memory_space<hbm>> -> memref<1x79x128xi32, #tpu.memory_space<hbm>>
      %dma_start3A_39 = tpu.memref_squeeze %dma_start3A_38 : memref<1x79x128xi32, #tpu.memory_space<hbm>> -> memref<79x128xi32, #tpu.memory_space<hbm>>
      %dma_start3A_40 = arith.constant 0 : i32
      %dma_start3A_41 = arith.constant 0 : i32
      %dma_start3A_42 = tpu.memref_slice %arg4[%add3A, %dma_start3A_40, %dma_start3A_41] : memref<32x79x128xi32, #tpu.memory_space<hbm>> -> memref<1x79x128xi32, #tpu.memory_space<hbm>>
      %dma_start3A_43 = tpu.memref_squeeze %dma_start3A_42 : memref<1x79x128xi32, #tpu.memory_space<hbm>> -> memref<79x128xi32, #tpu.memory_space<hbm>>
      tpu.enqueue_dma source(%dma_start3A_43 : memref<79x128xi32, #tpu.memory_space<hbm>>) target(%arg7 : memref<79x128xi32, #tpu.memory_space<vmem>>) target_semaphore(%run_scoped3A : memref<!tpu.dma_semaphore, #tpu.memory_space<semaphore_mem>>)
      %dma_wait3A = arith.constant 0 : i32
      %dma_wait3A_44 = arith.constant 0 : i32
      %dma_wait3A_45 = tpu.memref_slice %arg4[%add3A, %dma_wait3A, %dma_wait3A_44] : memref<32x79x128xi32, #tpu.memory_space<hbm>> -> memref<1x79x128xi32, #tpu.memory_space<hbm>>
      %dma_wait3A_46 = tpu.memref_squeeze %dma_wait3A_45 : memref<1x79x128xi32, #tpu.memory_space<hbm>> -> memref<79x128xi32, #tpu.memory_space<hbm>>
      %dma_wait3A_47 = arith.constant 0 : i32
      %dma_wait3A_48 = arith.constant 0 : i32
      %dma_wait3A_49 = tpu.memref_slice %arg4[%add3A, %dma_wait3A_47, %dma_wait3A_48] : memref<32x79x128xi32, #tpu.memory_space<hbm>> -> memref<1x79x128xi32, #tpu.memory_space<hbm>>
      %dma_wait3A_50 = tpu.memref_squeeze %dma_wait3A_49 : memref<1x79x128xi32, #tpu.memory_space<hbm>> -> memref<79x128xi32, #tpu.memory_space<hbm>>
      tpu.wait_dma2 semaphore(%run_scoped3A : memref<!tpu.dma_semaphore, #tpu.memory_space<semaphore_mem>>) src(%dma_wait3A_50 : memref<79x128xi32, #tpu.memory_space<hbm>>) dst(%arg7 : memref<79x128xi32, #tpu.memory_space<vmem>>)
      tpu.yield
    }) : () -> ()
    "tpu.region"() ({
      %run_scoped3A = tpu.sem_alloc : memref<!tpu.dma_semaphore, #tpu.memory_space<semaphore_mem>>
      %dma_start3A = arith.constant 0 : i32
      %dma_start3A_37 = arith.constant 0 : i32
      %dma_start3A_38 = tpu.memref_slice %arg3[%add3A, %dma_start3A, %dma_start3A_37] : memref<32x79x128xi32, #tpu.memory_space<hbm>> -> memref<1x79x128xi32, #tpu.memory_space<hbm>>
      %dma_start3A_39 = tpu.memref_squeeze %dma_start3A_38 : memref<1x79x128xi32, #tpu.memory_space<hbm>> -> memref<79x128xi32, #tpu.memory_space<hbm>>
      %dma_start3A_40 = arith.constant 0 : i32
      %dma_start3A_41 = arith.constant 0 : i32
      %dma_start3A_42 = tpu.memref_slice %arg3[%add3A, %dma_start3A_40, %dma_start3A_41] : memref<32x79x128xi32, #tpu.memory_space<hbm>> -> memref<1x79x128xi32, #tpu.memory_space<hbm>>
      %dma_start3A_43 = tpu.memref_squeeze %dma_start3A_42 : memref<1x79x128xi32, #tpu.memory_space<hbm>> -> memref<79x128xi32, #tpu.memory_space<hbm>>
      tpu.enqueue_dma source(%dma_start3A_43 : memref<79x128xi32, #tpu.memory_space<hbm>>) target(%arg8 : memref<79x128xi32, #tpu.memory_space<vmem>>) target_semaphore(%run_scoped3A : memref<!tpu.dma_semaphore, #tpu.memory_space<semaphore_mem>>)
      %dma_wait3A = arith.constant 0 : i32
      %dma_wait3A_44 = arith.constant 0 : i32
      %dma_wait3A_45 = tpu.memref_slice %arg3[%add3A, %dma_wait3A, %dma_wait3A_44] : memref<32x79x128xi32, #tpu.memory_space<hbm>> -> memref<1x79x128xi32, #tpu.memory_space<hbm>>
      %dma_wait3A_46 = tpu.memref_squeeze %dma_wait3A_45 : memref<1x79x128xi32, #tpu.memory_space<hbm>> -> memref<79x128xi32, #tpu.memory_space<hbm>>
      %dma_wait3A_47 = arith.constant 0 : i32
      %dma_wait3A_48 = arith.constant 0 : i32
      %dma_wait3A_49 = tpu.memref_slice %arg3[%add3A, %dma_wait3A_47, %dma_wait3A_48] : memref<32x79x128xi32, #tpu.memory_space<hbm>> -> memref<1x79x128xi32, #tpu.memory_space<hbm>>
      %dma_wait3A_50 = tpu.memref_squeeze %dma_wait3A_49 : memref<1x79x128xi32, #tpu.memory_space<hbm>> -> memref<79x128xi32, #tpu.memory_space<hbm>>
      tpu.wait_dma2 semaphore(%run_scoped3A : memref<!tpu.dma_semaphore, #tpu.memory_space<semaphore_mem>>) src(%dma_wait3A_50 : memref<79x128xi32, #tpu.memory_space<hbm>>) dst(%arg8 : memref<79x128xi32, #tpu.memory_space<vmem>>)
      tpu.yield
    }) : () -> ()
    "tpu.region"() ({
      %run_scoped3A = tpu.sem_alloc : memref<!tpu.dma_semaphore, #tpu.memory_space<semaphore_mem>>
      %dma_start3A = arith.constant 0 : i32
      %dma_start3A_37 = arith.constant 0 : i32
      %dma_start3A_38 = tpu.memref_slice %arg5[%add3A, %dma_start3A, %dma_start3A_37] : memref<32x79x128xf32, #tpu.memory_space<hbm>> -> memref<1x79x128xf32, #tpu.memory_space<hbm>>
      %dma_start3A_39 = tpu.memref_squeeze %dma_start3A_38 : memref<1x79x128xf32, #tpu.memory_space<hbm>> -> memref<79x128xf32, #tpu.memory_space<hbm>>
      %dma_start3A_40 = arith.constant 0 : i32
      %dma_start3A_41 = arith.constant 0 : i32
      %dma_start3A_42 = tpu.memref_slice %arg5[%add3A, %dma_start3A_40, %dma_start3A_41] : memref<32x79x128xf32, #tpu.memory_space<hbm>> -> memref<1x79x128xf32, #tpu.memory_space<hbm>>
      %dma_start3A_43 = tpu.memref_squeeze %dma_start3A_42 : memref<1x79x128xf32, #tpu.memory_space<hbm>> -> memref<79x128xf32, #tpu.memory_space<hbm>>
      tpu.enqueue_dma source(%dma_start3A_43 : memref<79x128xf32, #tpu.memory_space<hbm>>) target(%arg9 : memref<79x128xf32, #tpu.memory_space<vmem>>) target_semaphore(%run_scoped3A : memref<!tpu.dma_semaphore, #tpu.memory_space<semaphore_mem>>)
      %dma_wait3A = arith.constant 0 : i32
      %dma_wait3A_44 = arith.constant 0 : i32
      %dma_wait3A_45 = tpu.memref_slice %arg5[%add3A, %dma_wait3A, %dma_wait3A_44] : memref<32x79x128xf32, #tpu.memory_space<hbm>> -> memref<1x79x128xf32, #tpu.memory_space<hbm>>
      %dma_wait3A_46 = tpu.memref_squeeze %dma_wait3A_45 : memref<1x79x128xf32, #tpu.memory_space<hbm>> -> memref<79x128xf32, #tpu.memory_space<hbm>>
      %dma_wait3A_47 = arith.constant 0 : i32
      %dma_wait3A_48 = arith.constant 0 : i32
      %dma_wait3A_49 = tpu.memref_slice %arg5[%add3A, %dma_wait3A_47, %dma_wait3A_48] : memref<32x79x128xf32, #tpu.memory_space<hbm>> -> memref<1x79x128xf32, #tpu.memory_space<hbm>>
      %dma_wait3A_50 = tpu.memref_squeeze %dma_wait3A_49 : memref<1x79x128xf32, #tpu.memory_space<hbm>> -> memref<79x128xf32, #tpu.memory_space<hbm>>
      tpu.wait_dma2 semaphore(%run_scoped3A : memref<!tpu.dma_semaphore, #tpu.memory_space<semaphore_mem>>) src(%dma_wait3A_50 : memref<79x128xf32, #tpu.memory_space<hbm>>) dst(%arg9 : memref<79x128xf32, #tpu.memory_space<vmem>>)
      tpu.yield
    }) : () -> ()
    %scan3A = arith.constant 0 : i32
    %scan3A_1 = arith.constant 0 : i32
    %scan3A_2 = arith.constant 128 : i32
    %scan3A_3 = arith.addi %scan3A_1, %scan3A_2 : i32
    %scan3A_4 = arith.constant 1 : i32
    scf.for %scan3A_37 = %scan3A_1 to %scan3A_3 step %scan3A_4  : i32 {
      %broadcast_in_dim3A = arith.constant 0.000000e+00 : f32
      %broadcast_in_dim3A_38 = vector.broadcast %broadcast_in_dim3A : f32 to vector<16xf32>
      %swap3A = arith.index_cast %scan3A_37 : i32 to index
      %swap3A_39 = arith.constant 0 : index
      %swap3A_40 = tpu.vector_load %arg10[%swap3A, %swap3A_39] {strides = array<i32>} : memref<128x128xf32, #tpu.memory_space<vmem>>, vector<1x16xf32>,
      %swap3A_41 = vector.shape_cast %swap3A_40 : vector<1x16xf32> to vector<16xf32>
      %swap3A_42 = vector.shape_cast %broadcast_in_dim3A_38 : vector<16xf32> to vector<1x16xf32>
      tpu.vector_store %arg10[%swap3A, %swap3A_39], %swap3A_42 {strides = array<i32>} : memref<128x128xf32, #tpu.memory_space<vmem>>, vector<1x16xf32>,
      %broadcast_in_dim3A_43 = arith.constant 0.000000e+00 : f32
      %broadcast_in_dim3A_44 = vector.broadcast %broadcast_in_dim3A_43 : f32 to vector<16xf32>
      %swap3A_45 = arith.index_cast %scan3A_37 : i32 to index
      %swap3A_46 = arith.constant 16 : index
      %swap3A_47 = tpu.vector_load %arg10[%swap3A_45, %swap3A_46] {strides = array<i32>} : memref<128x128xf32, #tpu.memory_space<vmem>>, vector<1x16xf32>,
      %swap3A_48 = vector.shape_cast %swap3A_47 : vector<1x16xf32> to vector<16xf32>
      %swap3A_49 = vector.shape_cast %broadcast_in_dim3A_44 : vector<16xf32> to vector<1x16xf32>
      tpu.vector_store %arg10[%swap3A_45, %swap3A_46], %swap3A_49 {strides = array<i32>} : memref<128x128xf32, #tpu.memory_space<vmem>>, vector<1x16xf32>,
      %broadcast_in_dim3A_50 = arith.constant 0.000000e+00 : f32
      %broadcast_in_dim3A_51 = vector.broadcast %broadcast_in_dim3A_50 : f32 to vector<16xf32>
      %swap3A_52 = arith.index_cast %scan3A_37 : i32 to index
      %swap3A_53 = arith.constant 32 : index
      %swap3A_54 = tpu.vector_load %arg10[%swap3A_52, %swap3A_53] {strides = array<i32>} : memref<128x128xf32, #tpu.memory_space<vmem>>, vector<1x16xf32>,
      %swap3A_55 = vector.shape_cast %swap3A_54 : vector<1x16xf32> to vector<16xf32>
      %swap3A_56 = vector.shape_cast %broadcast_in_dim3A_51 : vector<16xf32> to vector<1x16xf32>
      tpu.vector_store %arg10[%swap3A_52, %swap3A_53], %swap3A_56 {strides = array<i32>} : memref<128x128xf32, #tpu.memory_space<vmem>>, vector<1x16xf32>,
      %broadcast_in_dim3A_57 = arith.constant 0.000000e+00 : f32
      %broadcast_in_dim3A_58 = vector.broadcast %broadcast_in_dim3A_57 : f32 to vector<16xf32>
      %swap3A_59 = arith.index_cast %scan3A_37 : i32 to index
      %swap3A_60 = arith.constant 48 : index
      %swap3A_61 = tpu.vector_load %arg10[%swap3A_59, %swap3A_60] {strides = array<i32>} : memref<128x128xf32, #tpu.memory_space<vmem>>, vector<1x16xf32>,
      %swap3A_62 = vector.shape_cast %swap3A_61 : vector<1x16xf32> to vector<16xf32>
      %swap3A_63 = vector.shape_cast %broadcast_in_dim3A_58 : vector<16xf32> to vector<1x16xf32>
      tpu.vector_store %arg10[%swap3A_59, %swap3A_60], %swap3A_63 {strides = array<i32>} : memref<128x128xf32, #tpu.memory_space<vmem>>, vector<1x16xf32>,
      %broadcast_in_dim3A_64 = arith.constant 0.000000e+00 : f32
      %broadcast_in_dim3A_65 = vector.broadcast %broadcast_in_dim3A_64 : f32 to vector<16xf32>
      %swap3A_66 = arith.index_cast %scan3A_37 : i32 to index
      %swap3A_67 = arith.constant 64 : index
      %swap3A_68 = tpu.vector_load %arg10[%swap3A_66, %swap3A_67] {strides = array<i32>} : memref<128x128xf32, #tpu.memory_space<vmem>>, vector<1x16xf32>,
      %swap3A_69 = vector.shape_cast %swap3A_68 : vector<1x16xf32> to vector<16xf32>
      %swap3A_70 = vector.shape_cast %broadcast_in_dim3A_65 : vector<16xf32> to vector<1x16xf32>
      tpu.vector_store %arg10[%swap3A_66, %swap3A_67], %swap3A_70 {strides = array<i32>} : memref<128x128xf32, #tpu.memory_space<vmem>>, vector<1x16xf32>,
      %broadcast_in_dim3A_71 = arith.constant 0.000000e+00 : f32
      %broadcast_in_dim3A_72 = vector.broadcast %broadcast_in_dim3A_71 : f32 to vector<16xf32>
      %swap3A_73 = arith.index_cast %scan3A_37 : i32 to index
      %swap3A_74 = arith.constant 80 : index
      %swap3A_75 = tpu.vector_load %arg10[%swap3A_73, %swap3A_74] {strides = array<i32>} : memref<128x128xf32, #tpu.memory_space<vmem>>, vector<1x16xf32>,
      %swap3A_76 = vector.shape_cast %swap3A_75 : vector<1x16xf32> to vector<16xf32>
      %swap3A_77 = vector.shape_cast %broadcast_in_dim3A_72 : vector<16xf32> to vector<1x16xf32>
      tpu.vector_store %arg10[%swap3A_73, %swap3A_74], %swap3A_77 {strides = array<i32>} : memref<128x128xf32, #tpu.memory_space<vmem>>, vector<1x16xf32>,
      %broadcast_in_dim3A_78 = arith.constant 0.000000e+00 : f32
      %broadcast_in_dim3A_79 = vector.broadcast %broadcast_in_dim3A_78 : f32 to vector<16xf32>
      %swap3A_80 = arith.index_cast %scan3A_37 : i32 to index
      %swap3A_81 = arith.constant 96 : index
      %swap3A_82 = tpu.vector_load %arg10[%swap3A_80, %swap3A_81] {strides = array<i32>} : memref<128x128xf32, #tpu.memory_space<vmem>>, vector<1x16xf32>,
      %swap3A_83 = vector.shape_cast %swap3A_82 : vector<1x16xf32> to vector<16xf32>
      %swap3A_84 = vector.shape_cast %broadcast_in_dim3A_79 : vector<16xf32> to vector<1x16xf32>
      tpu.vector_store %arg10[%swap3A_80, %swap3A_81], %swap3A_84 {strides = array<i32>} : memref<128x128xf32, #tpu.memory_space<vmem>>, vector<1x16xf32>,
      %broadcast_in_dim3A_85 = arith.constant 0.000000e+00 : f32
      %broadcast_in_dim3A_86 = vector.broadcast %broadcast_in_dim3A_85 : f32 to vector<16xf32>
      %swap3A_87 = arith.index_cast %scan3A_37 : i32 to index
      %swap3A_88 = arith.constant 112 : index
      %swap3A_89 = tpu.vector_load %arg10[%swap3A_87, %swap3A_88] {strides = array<i32>} : memref<128x128xf32, #tpu.memory_space<vmem>>, vector<1x16xf32>,
      %swap3A_90 = vector.shape_cast %swap3A_89 : vector<1x16xf32> to vector<16xf32>
      %swap3A_91 = vector.shape_cast %broadcast_in_dim3A_86 : vector<16xf32> to vector<1x16xf32>
      tpu.vector_store %arg10[%swap3A_87, %swap3A_88], %swap3A_91 {strides = array<i32>} : memref<128x128xf32, #tpu.memory_space<vmem>>, vector<1x16xf32>,
    }
    %scan3A_5 = arith.constant 128 : i32
    %mul3A_6 = arith.constant 640 : i32
    %mul3A_7 = arith.muli %arg1, %mul3A_6 : i32
    %add3A_8 = arith.constant 0 : i32
    %add3A_9 = arith.addi %mul3A_7, %add3A_8 : i32
    "tpu.region"() ({
      %run_scoped3A = tpu.sem_alloc : memref<!tpu.dma_semaphore, #tpu.memory_space<semaphore_mem>>
      %dma_start3A = arith.constant 0 : i32
      %dma_start3A_37 = tpu.memref_slice %arg11[%add3A_9, %dma_start3A] : memref<10240x128xf32, #tpu.memory_space<vmem_shared>> -> memref<128x128xf32, #tpu.memory_space<vmem_shared>>
      %dma_start3A_38 = arith.constant 0 : i32
      %dma_start3A_39 = tpu.memref_slice %arg11[%add3A_9, %dma_start3A_38] : memref<10240x128xf32, #tpu.memory_space<vmem_shared>> -> memref<128x128xf32, #tpu.memory_space<vmem_shared>>
      tpu.enqueue_dma source(%arg10 : memref<128x128xf32, #tpu.memory_space<vmem>>) target(%dma_start3A_39 : memref<128x128xf32, #tpu.memory_space<vmem_shared>>) target_semaphore(%run_scoped3A : memref<!tpu.dma_semaphore, #tpu.memory_space<semaphore_mem>>)
      %dma_wait3A = arith.constant 0 : i32
      %dma_wait3A_40 = tpu.memref_slice %arg11[%add3A_9, %dma_wait3A] : memref<10240x128xf32, #tpu.memory_space<vmem_shared>> -> memref<128x128xf32, #tpu.memory_space<vmem_shared>>
      %dma_wait3A_41 = arith.constant 0 : i32
      %dma_wait3A_42 = tpu.memref_slice %arg11[%add3A_9, %dma_wait3A_41] : memref<10240x128xf32, #tpu.memory_space<vmem_shared>> -> memref<128x128xf32, #tpu.memory_space<vmem_shared>>
      tpu.wait_dma2 semaphore(%run_scoped3A : memref<!tpu.dma_semaphore, #tpu.memory_space<semaphore_mem>>) src(%arg10 : memref<128x128xf32, #tpu.memory_space<vmem>>) dst(%dma_wait3A_42 : memref<128x128xf32, #tpu.memory_space<vmem_shared>>)
      tpu.yield
    }) : () -> ()
    %mul3A_10 = arith.constant 640 : i32
    %mul3A_11 = arith.muli %arg1, %mul3A_10 : i32
    %add3A_12 = arith.constant 128 : i32
    %add3A_13 = arith.addi %mul3A_11, %add3A_12 : i32
    "tpu.region"() ({
      %run_scoped3A = tpu.sem_alloc : memref<!tpu.dma_semaphore, #tpu.memory_space<semaphore_mem>>
      %dma_start3A = arith.constant 0 : i32
      %dma_start3A_37 = tpu.memref_slice %arg11[%add3A_13, %dma_start3A] : memref<10240x128xf32, #tpu.memory_space<vmem_shared>> -> memref<128x128xf32, #tpu.memory_space<vmem_shared>>
      %dma_start3A_38 = arith.constant 0 : i32
      %dma_start3A_39 = tpu.memref_slice %arg11[%add3A_13, %dma_start3A_38] : memref<10240x128xf32, #tpu.memory_space<vmem_shared>> -> memref<128x128xf32, #tpu.memory_space<vmem_shared>>
      tpu.enqueue_dma source(%arg10 : memref<128x128xf32, #tpu.memory_space<vmem>>) target(%dma_start3A_39 : memref<128x128xf32, #tpu.memory_space<vmem_shared>>) target_semaphore(%run_scoped3A : memref<!tpu.dma_semaphore, #tpu.memory_space<semaphore_mem>>)
      %dma_wait3A = arith.constant 0 : i32
      %dma_wait3A_40 = tpu.memref_slice %arg11[%add3A_13, %dma_wait3A] : memref<10240x128xf32, #tpu.memory_space<vmem_shared>> -> memref<128x128xf32, #tpu.memory_space<vmem_shared>>
      %dma_wait3A_41 = arith.constant 0 : i32
      %dma_wait3A_42 = tpu.memref_slice %arg11[%add3A_13, %dma_wait3A_41] : memref<10240x128xf32, #tpu.memory_space<vmem_shared>> -> memref<128x128xf32, #tpu.memory_space<vmem_shared>>
      tpu.wait_dma2 semaphore(%run_scoped3A : memref<!tpu.dma_semaphore, #tpu.memory_space<semaphore_mem>>) src(%arg10 : memref<128x128xf32, #tpu.memory_space<vmem>>) dst(%dma_wait3A_42 : memref<128x128xf32, #tpu.memory_space<vmem_shared>>)
      tpu.yield
    }) : () -> ()
    %mul3A_14 = arith.constant 640 : i32
    %mul3A_15 = arith.muli %arg1, %mul3A_14 : i32
    %add3A_16 = arith.constant 256 : i32
    %add3A_17 = arith.addi %mul3A_15, %add3A_16 : i32
    "tpu.region"() ({
      %run_scoped3A = tpu.sem_alloc : memref<!tpu.dma_semaphore, #tpu.memory_space<semaphore_mem>>
      %dma_start3A = arith.constant 0 : i32
      %dma_start3A_37 = tpu.memref_slice %arg11[%add3A_17, %dma_start3A] : memref<10240x128xf32, #tpu.memory_space<vmem_shared>> -> memref<128x128xf32, #tpu.memory_space<vmem_shared>>
      %dma_start3A_38 = arith.constant 0 : i32
      %dma_start3A_39 = tpu.memref_slice %arg11[%add3A_17, %dma_start3A_38] : memref<10240x128xf32, #tpu.memory_space<vmem_shared>> -> memref<128x128xf32, #tpu.memory_space<vmem_shared>>
      tpu.enqueue_dma source(%arg10 : memref<128x128xf32, #tpu.memory_space<vmem>>) target(%dma_start3A_39 : memref<128x128xf32, #tpu.memory_space<vmem_shared>>) target_semaphore(%run_scoped3A : memref<!tpu.dma_semaphore, #tpu.memory_space<semaphore_mem>>)
      %dma_wait3A = arith.constant 0 : i32
      %dma_wait3A_40 = tpu.memref_slice %arg11[%add3A_17, %dma_wait3A] : memref<10240x128xf32, #tpu.memory_space<vmem_shared>> -> memref<128x128xf32, #tpu.memory_space<vmem_shared>>
      %dma_wait3A_41 = arith.constant 0 : i32
      %dma_wait3A_42 = tpu.memref_slice %arg11[%add3A_17, %dma_wait3A_41] : memref<10240x128xf32, #tpu.memory_space<vmem_shared>> -> memref<128x128xf32, #tpu.memory_space<vmem_shared>>
      tpu.wait_dma2 semaphore(%run_scoped3A : memref<!tpu.dma_semaphore, #tpu.memory_space<semaphore_mem>>) src(%arg10 : memref<128x128xf32, #tpu.memory_space<vmem>>) dst(%dma_wait3A_42 : memref<128x128xf32, #tpu.memory_space<vmem_shared>>)
      tpu.yield
    }) : () -> ()
    %mul3A_18 = arith.constant 640 : i32
    %mul3A_19 = arith.muli %arg1, %mul3A_18 : i32
    %add3A_20 = arith.constant 384 : i32
    %add3A_21 = arith.addi %mul3A_19, %add3A_20 : i32
    "tpu.region"() ({
      %run_scoped3A = tpu.sem_alloc : memref<!tpu.dma_semaphore, #tpu.memory_space<semaphore_mem>>
      %dma_start3A = arith.constant 0 : i32
      %dma_start3A_37 = tpu.memref_slice %arg11[%add3A_21, %dma_start3A] : memref<10240x128xf32, #tpu.memory_space<vmem_shared>> -> memref<128x128xf32, #tpu.memory_space<vmem_shared>>
      %dma_start3A_38 = arith.constant 0 : i32
      %dma_start3A_39 = tpu.memref_slice %arg11[%add3A_21, %dma_start3A_38] : memref<10240x128xf32, #tpu.memory_space<vmem_shared>> -> memref<128x128xf32, #tpu.memory_space<vmem_shared>>
      tpu.enqueue_dma source(%arg10 : memref<128x128xf32, #tpu.memory_space<vmem>>) target(%dma_start3A_39 : memref<128x128xf32, #tpu.memory_space<vmem_shared>>) target_semaphore(%run_scoped3A : memref<!tpu.dma_semaphore, #tpu.memory_space<semaphore_mem>>)
      %dma_wait3A = arith.constant 0 : i32
      %dma_wait3A_40 = tpu.memref_slice %arg11[%add3A_21, %dma_wait3A] : memref<10240x128xf32, #tpu.memory_space<vmem_shared>> -> memref<128x128xf32, #tpu.memory_space<vmem_shared>>
      %dma_wait3A_41 = arith.constant 0 : i32
      %dma_wait3A_42 = tpu.memref_slice %arg11[%add3A_21, %dma_wait3A_41] : memref<10240x128xf32, #tpu.memory_space<vmem_shared>> -> memref<128x128xf32, #tpu.memory_space<vmem_shared>>
      tpu.wait_dma2 semaphore(%run_scoped3A : memref<!tpu.dma_semaphore, #tpu.memory_space<semaphore_mem>>) src(%arg10 : memref<128x128xf32, #tpu.memory_space<vmem>>) dst(%dma_wait3A_42 : memref<128x128xf32, #tpu.memory_space<vmem_shared>>)
      tpu.yield
    }) : () -> ()
    %mul3A_22 = arith.constant 640 : i32
    %mul3A_23 = arith.muli %arg1, %mul3A_22 : i32
    %add3A_24 = arith.constant 512 : i32
    %add3A_25 = arith.addi %mul3A_23, %add3A_24 : i32
    "tpu.region"() ({
      %run_scoped3A = tpu.sem_alloc : memref<!tpu.dma_semaphore, #tpu.memory_space<semaphore_mem>>
      %dma_start3A = arith.constant 0 : i32
      %dma_start3A_37 = tpu.memref_slice %arg11[%add3A_25, %dma_start3A] : memref<10240x128xf32, #tpu.memory_space<vmem_shared>> -> memref<128x128xf32, #tpu.memory_space<vmem_shared>>
      %dma_start3A_38 = arith.constant 0 : i32
      %dma_start3A_39 = tpu.memref_slice %arg11[%add3A_25, %dma_start3A_38] : memref<10240x128xf32, #tpu.memory_space<vmem_shared>> -> memref<128x128xf32, #tpu.memory_space<vmem_shared>>
      tpu.enqueue_dma source(%arg10 : memref<128x128xf32, #tpu.memory_space<vmem>>) target(%dma_start3A_39 : memref<128x128xf32, #tpu.memory_space<vmem_shared>>) target_semaphore(%run_scoped3A : memref<!tpu.dma_semaphore, #tpu.memory_space<semaphore_mem>>)
      %dma_wait3A = arith.constant 0 : i32
      %dma_wait3A_40 = tpu.memref_slice %arg11[%add3A_25, %dma_wait3A] : memref<10240x128xf32, #tpu.memory_space<vmem_shared>> -> memref<128x128xf32, #tpu.memory_space<vmem_shared>>
      %dma_wait3A_41 = arith.constant 0 : i32
      %dma_wait3A_42 = tpu.memref_slice %arg11[%add3A_25, %dma_wait3A_41] : memref<10240x128xf32, #tpu.memory_space<vmem_shared>> -> memref<128x128xf32, #tpu.memory_space<vmem_shared>>
      tpu.wait_dma2 semaphore(%run_scoped3A : memref<!tpu.dma_semaphore, #tpu.memory_space<semaphore_mem>>) src(%arg10 : memref<128x128xf32, #tpu.memory_space<vmem>>) dst(%dma_wait3A_42 : memref<128x128xf32, #tpu.memory_space<vmem_shared>>)
      tpu.yield
    }) : () -> ()
    %barrier3A = arith.constant 0 : index
    tpu.barrier barrier_id(%barrier3A)
    %scan3A_26 = arith.constant 0 : i32
    %scan3A_27 = arith.constant 0 : i32
    %scan3A_28 = arith.constant 79 : i32
    %scan3A_29 = arith.addi %scan3A_27, %scan3A_28 : i32
    %scan3A_30 = arith.constant 1 : i32
    scf.for %scan3A_37 = %scan3A_27 to %scan3A_29 step %scan3A_30  : i32 {
      %dma_start3A = arith.constant 0 : i32
      %dma_start3A_38 = tpu.memref_slice %arg7[%scan3A_37, %dma_start3A] : memref<79x128xi32, #tpu.memory_space<vmem>> -> memref<1x128xi32, #tpu.memory_space<vmem>>
      %dma_start3A_39 = tpu.memref_squeeze %dma_start3A_38 : memref<1x128xi32, #tpu.memory_space<vmem>> -> memref<128xi32, #tpu.memory_space<vmem>>
      %dma_start3A_40 = arith.constant 0 : i32
      %dma_start3A_41 = arith.constant 0 : i32
      %dma_start3A_42 = tpu.memref_slice %arg2[%dma_start3A_40, %dma_start3A_41] : memref<10000x128xf32, #tpu.memory_space<hbm>> -> memref<10000x128xf32, #tpu.memory_space<hbm>>
      tpu.enqueue_indirect_dma source(%dma_start3A_42 : memref<10000x128xf32, #tpu.memory_space<hbm>>) target(%arg10 : memref<128x128xf32, #tpu.memory_space<vmem>>) offsets(%dma_start3A_39 : memref<128xi32, #tpu.memory_space<vmem>>) semaphore(%arg12 : memref<!tpu.dma_semaphore, #tpu.memory_space<semaphore_mem>>)
      %dma_wait3A = arith.constant 0 : i32
      %dma_wait3A_43 = tpu.memref_slice %arg7[%scan3A_37, %dma_wait3A] : memref<79x128xi32, #tpu.memory_space<vmem>> -> memref<1x128xi32, #tpu.memory_space<vmem>>
      %dma_wait3A_44 = tpu.memref_squeeze %dma_wait3A_43 : memref<1x128xi32, #tpu.memory_space<vmem>> -> memref<128xi32, #tpu.memory_space<vmem>>
      %dma_wait3A_45 = arith.constant 0 : i32
      %dma_wait3A_46 = arith.constant 0 : i32
      %dma_wait3A_47 = tpu.memref_slice %arg2[%dma_wait3A_45, %dma_wait3A_46] : memref<10000x128xf32, #tpu.memory_space<hbm>> -> memref<10000x128xf32, #tpu.memory_space<hbm>>
      tpu.wait_indirect_dma semaphore(%arg12 : memref<!tpu.dma_semaphore, #tpu.memory_space<semaphore_mem>>) src(%dma_wait3A_47 : memref<10000x128xf32, #tpu.memory_space<hbm>>) dst(%arg10 : memref<128x128xf32, #tpu.memory_space<vmem>>)
      %scan3A_48 = arith.constant 0 : i32
      %scan3A_49 = arith.constant 0 : i32
      %scan3A_50 = arith.constant 8 : i32
      %scan3A_51 = arith.addi %scan3A_49, %scan3A_50 : i32
      %scan3A_52 = arith.constant 1 : i32
      scf.for %scan3A_54 = %scan3A_49 to %scan3A_51 step %scan3A_52  : i32 {
        %mul3A_55 = arith.constant 16 : i32
        %mul3A_56 = arith.muli %scan3A_54, %mul3A_55 : i32
        %get3A = arith.index_cast %scan3A_37 : i32 to index
        %get3A_57 = arith.index_cast %mul3A_56 : i32 to index
        %get3A_58 = tpu.vector_load %arg9[%get3A, %get3A_57] {strides = array<i32>} : memref<79x128xf32, #tpu.memory_space<vmem>>, vector<1x16xf32>,
        %get3A_59 = vector.shape_cast %get3A_58 : vector<1x16xf32> to vector<16xf32>
        %broadcast_in_dim3A = arith.constant 0 : i32
        %broadcast_in_dim3A_60 = vector.broadcast %broadcast_in_dim3A : i32 to vector<16x1xi32>
        %gather3A = vector.shape_cast %broadcast_in_dim3A_60 : vector<16x1xi32> to vector<16xi32>
        %gather3A_61 = tpu.dynamic_gather %get3A_59[%gather3A] in [0] : vector<16xf32>, vector<16xi32> -> vector<16xf32>
        %mul3A_62 = arith.constant 16 : i32
        %mul3A_63 = arith.muli %scan3A_54, %mul3A_62 : i32
        %add3A_64 = arith.constant 0 : i32
        %add3A_65 = arith.addi %mul3A_63, %add3A_64 : i32
        %get3A_66 = arith.index_cast %add3A_65 : i32 to index
        %get3A_67 = arith.constant 0 : index
        %get3A_68 = tpu.vector_load %arg10[%get3A_66, %get3A_67] {strides = array<i32>} : memref<128x128xf32, #tpu.memory_space<vmem>>, vector<1x16xf32>,
        %get3A_69 = vector.shape_cast %get3A_68 : vector<1x16xf32> to vector<16xf32>
        %mul3A_70 = arith.mulf %get3A_69, %gather3A_61 : vector<16xf32>
        %swap3A = arith.index_cast %add3A_65 : i32 to index
        %swap3A_71 = arith.constant 0 : index
        %swap3A_72 = tpu.vector_load %arg10[%swap3A, %swap3A_71] {strides = array<i32>} : memref<128x128xf32, #tpu.memory_space<vmem>>, vector<1x16xf32>,
        %swap3A_73 = vector.shape_cast %swap3A_72 : vector<1x16xf32> to vector<16xf32>
        %swap3A_74 = vector.shape_cast %mul3A_70 : vector<16xf32> to vector<1x16xf32>
        tpu.vector_store %arg10[%swap3A, %swap3A_71], %swap3A_74 {strides = array<i32>} : memref<128x128xf32, #tpu.memory_space<vmem>>, vector<1x16xf32>,
        %get3A_75 = arith.index_cast %add3A_65 : i32 to index
        %get3A_76 = arith.constant 16 : index
        %get3A_77 = tpu.vector_load %arg10[%get3A_75, %get3A_76] {strides = array<i32>} : memref<128x128xf32, #tpu.memory_space<vmem>>, vector<1x16xf32>,
        %get3A_78 = vector.shape_cast %get3A_77 : vector<1x16xf32> to vector<16xf32>
        %mul3A_79 = arith.mulf %get3A_78, %gather3A_61 : vector<16xf32>
        %swap3A_80 = arith.index_cast %add3A_65 : i32 to index
        %swap3A_81 = arith.constant 16 : index
        %swap3A_82 = tpu.vector_load %arg10[%swap3A_80, %swap3A_81] {strides = array<i32>} : memref<128x128xf32, #tpu.memory_space<vmem>>, vector<1x16xf32>,
        %swap3A_83 = vector.shape_cast %swap3A_82 : vector<1x16xf32> to vector<16xf32>
        %swap3A_84 = vector.shape_cast %mul3A_79 : vector<16xf32> to vector<1x16xf32>
        tpu.vector_store %arg10[%swap3A_80, %swap3A_81], %swap3A_84 {strides = array<i32>} : memref<128x128xf32, #tpu.memory_space<vmem>>, vector<1x16xf32>,
        %get3A_85 = arith.index_cast %add3A_65 : i32 to index
        %get3A_86 = arith.constant 32 : index
        %get3A_87 = tpu.vector_load %arg10[%get3A_85, %get3A_86] {strides = array<i32>} : memref<128x128xf32, #tpu.memory_space<vmem>>, vector<1x16xf32>,
        %get3A_88 = vector.shape_cast %get3A_87 : vector<1x16xf32> to vector<16xf32>
        %mul3A_89 = arith.mulf %get3A_88, %gather3A_61 : vector<16xf32>
        %swap3A_90 = arith.index_cast %add3A_65 : i32 to index
        %swap3A_91 = arith.constant 32 : index
        %swap3A_92 = tpu.vector_load %arg10[%swap3A_90, %swap3A_91] {strides = array<i32>} : memref<128x128xf32, #tpu.memory_space<vmem>>, vector<1x16xf32>,
        %swap3A_93 = vector.shape_cast %swap3A_92 : vector<1x16xf32> to vector<16xf32>
        %swap3A_94 = vector.shape_cast %mul3A_89 : vector<16xf32> to vector<1x16xf32>
        tpu.vector_store %arg10[%swap3A_90, %swap3A_91], %swap3A_94 {strides = array<i32>} : memref<128x128xf32, #tpu.memory_space<vmem>>, vector<1x16xf32>,
        %get3A_95 = arith.index_cast %add3A_65 : i32 to index
        %get3A_96 = arith.constant 48 : index
        %get3A_97 = tpu.vector_load %arg10[%get3A_95, %get3A_96] {strides = array<i32>} : memref<128x128xf32, #tpu.memory_space<vmem>>, vector<1x16xf32>,
        %get3A_98 = vector.shape_cast %get3A_97 : vector<1x16xf32> to vector<16xf32>
        %mul3A_99 = arith.mulf %get3A_98, %gather3A_61 : vector<16xf32>
        %swap3A_100 = arith.index_cast %add3A_65 : i32 to index
        %swap3A_101 = arith.constant 48 : index
        %swap3A_102 = tpu.vector_load %arg10[%swap3A_100, %swap3A_101] {strides = array<i32>} : memref<128x128xf32, #tpu.memory_space<vmem>>, vector<1x16xf32>,
        %swap3A_103 = vector.shape_cast %swap3A_102 : vector<1x16xf32> to vector<16xf32>
        %swap3A_104 = vector.shape_cast %mul3A_99 : vector<16xf32> to vector<1x16xf32>
        tpu.vector_store %arg10[%swap3A_100, %swap3A_101], %swap3A_104 {strides = array<i32>} : memref<128x128xf32, #tpu.memory_space<vmem>>, vector<1x16xf32>,
        %get3A_105 = arith.index_cast %add3A_65 : i32 to index
        %get3A_106 = arith.constant 64 : index
        %get3A_107 = tpu.vector_load %arg10[%get3A_105, %get3A_106] {strides = array<i32>} : memref<128x128xf32, #tpu.memory_space<vmem>>, vector<1x16xf32>,
        %get3A_108 = vector.shape_cast %get3A_107 : vector<1x16xf32> to vector<16xf32>
        %mul3A_109 = arith.mulf %get3A_108, %gather3A_61 : vector<16xf32>
        %swap3A_110 = arith.index_cast %add3A_65 : i32 to index
        %swap3A_111 = arith.constant 64 : index
        %swap3A_112 = tpu.vector_load %arg10[%swap3A_110, %swap3A_111] {strides = array<i32>} : memref<128x128xf32, #tpu.memory_space<vmem>>, vector<1x16xf32>,
        %swap3A_113 = vector.shape_cast %swap3A_112 : vector<1x16xf32> to vector<16xf32>
        %swap3A_114 = vector.shape_cast %mul3A_109 : vector<16xf32> to vector<1x16xf32>
        tpu.vector_store %arg10[%swap3A_110, %swap3A_111], %swap3A_114 {strides = array<i32>} : memref<128x128xf32, #tpu.memory_space<vmem>>, vector<1x16xf32>,
        %get3A_115 = arith.index_cast %add3A_65 : i32 to index
        %get3A_116 = arith.constant 80 : index
        %get3A_117 = tpu.vector_load %arg10[%get3A_115, %get3A_116] {strides = array<i32>} : memref<128x128xf32, #tpu.memory_space<vmem>>, vector<1x16xf32>,
        %get3A_118 = vector.shape_cast %get3A_117 : vector<1x16xf32> to vector<16xf32>
        %mul3A_119 = arith.mulf %get3A_118, %gather3A_61 : vector<16xf32>
        %swap3A_120 = arith.index_cast %add3A_65 : i32 to index
        %swap3A_121 = arith.constant 80 : index
        %swap3A_122 = tpu.vector_load %arg10[%swap3A_120, %swap3A_121] {strides = array<i32>} : memref<128x128xf32, #tpu.memory_space<vmem>>, vector<1x16xf32>,
        %swap3A_123 = vector.shape_cast %swap3A_122 : vector<1x16xf32> to vector<16xf32>
        %swap3A_124 = vector.shape_cast %mul3A_119 : vector<16xf32> to vector<1x16xf32>
        tpu.vector_store %arg10[%swap3A_120, %swap3A_121], %swap3A_124 {strides = array<i32>} : memref<128x128xf32, #tpu.memory_space<vmem>>, vector<1x16xf32>,
        %get3A_125 = arith.index_cast %add3A_65 : i32 to index
        %get3A_126 = arith.constant 96 : index
        %get3A_127 = tpu.vector_load %arg10[%get3A_125, %get3A_126] {strides = array<i32>} : memref<128x128xf32, #tpu.memory_space<vmem>>, vector<1x16xf32>,
        %get3A_128 = vector.shape_cast %get3A_127 : vector<1x16xf32> to vector<16xf32>
        %mul3A_129 = arith.mulf %get3A_128, %gather3A_61 : vector<16xf32>
        %swap3A_130 = arith.index_cast %add3A_65 : i32 to index
        %swap3A_131 = arith.constant 96 : index
        %swap3A_132 = tpu.vector_load %arg10[%swap3A_130, %swap3A_131] {strides = array<i32>} : memref<128x128xf32, #tpu.memory_space<vmem>>, vector<1x16xf32>,
        %swap3A_133 = vector.shape_cast %swap3A_132 : vector<1x16xf32> to vector<16xf32>
        %swap3A_134 = vector.shape_cast %mul3A_129 : vector<16xf32> to vector<1x16xf32>
        tpu.vector_store %arg10[%swap3A_130, %swap3A_131], %swap3A_134 {strides = array<i32>} : memref<128x128xf32, #tpu.memory_space<vmem>>, vector<1x16xf32>,
        %get3A_135 = arith.index_cast %add3A_65 : i32 to index
        %get3A_136 = arith.constant 112 : index
        %get3A_137 = tpu.vector_load %arg10[%get3A_135, %get3A_136] {strides = array<i32>} : memref<128x128xf32, #tpu.memory_space<vmem>>, vector<1x16xf32>,
        %get3A_138 = vector.shape_cast %get3A_137 : vector<1x16xf32> to vector<16xf32>
        %mul3A_139 = arith.mulf %get3A_138, %gather3A_61 : vector<16xf32>
        %swap3A_140 = arith.index_cast %add3A_65 : i32 to index
        %swap3A_141 = arith.constant 112 : index
        %swap3A_142 = tpu.vector_load %arg10[%swap3A_140, %swap3A_141] {strides = array<i32>} : memref<128x128xf32, #tpu.memory_space<vmem>>, vector<1x16xf32>,
        %swap3A_143 = vector.shape_cast %swap3A_142 : vector<1x16xf32> to vector<16xf32>
        %swap3A_144 = vector.shape_cast %mul3A_139 : vector<16xf32> to vector<1x16xf32>
        tpu.vector_store %arg10[%swap3A_140, %swap3A_141], %swap3A_144 {strides = array<i32>} : memref<128x128xf32, #tpu.memory_space<vmem>>, vector<1x16xf32>,
        %broadcast_in_dim3A_145 = arith.constant 1 : i32
        %broadcast_in_dim3A_146 = vector.broadcast %broadcast_in_dim3A_145 : i32 to vector<16x1xi32>
        %gather3A_147 = vector.shape_cast %broadcast_in_dim3A_146 : vector<16x1xi32> to vector<16xi32>
        %gather3A_148 = tpu.dynamic_gather %get3A_59[%gather3A_147] in [0] : vector<16xf32>, vector<16xi32> -> vector<16xf32>
        %mul3A_149 = arith.constant 16 : i32
        %mul3A_150 = arith.muli %scan3A_54, %mul3A_149 : i32
        %add3A_151 = arith.constant 1 : i32
        %add3A_152 = arith.addi %mul3A_150, %add3A_151 : i32
        %get3A_153 = arith.index_cast %add3A_152 : i32 to index
        %get3A_154 = arith.constant 0 : index
        %get3A_155 = tpu.vector_load %arg10[%get3A_153, %get3A_154] {strides = array<i32>} : memref<128x128xf32, #tpu.memory_space<vmem>>, vector<1x16xf32>,
        %get3A_156 = vector.shape_cast %get3A_155 : vector<1x16xf32> to vector<16xf32>
        %mul3A_157 = arith.mulf %get3A_156, %gather3A_148 : vector<16xf32>
        %swap3A_158 = arith.index_cast %add3A_152 : i32 to index
        %swap3A_159 = arith.constant 0 : index
        %swap3A_160 = tpu.vector_load %arg10[%swap3A_158, %swap3A_159] {strides = array<i32>} : memref<128x128xf32, #tpu.memory_space<vmem>>, vector<1x16xf32>,
        %swap3A_161 = vector.shape_cast %swap3A_160 : vector<1x16xf32> to vector<16xf32>
        %swap3A_162 = vector.shape_cast %mul3A_157 : vector<16xf32> to vector<1x16xf32>
        tpu.vector_store %arg10[%swap3A_158, %swap3A_159], %swap3A_162 {strides = array<i32>} : memref<128x128xf32, #tpu.memory_space<vmem>>, vector<1x16xf32>,
        %get3A_163 = arith.index_cast %add3A_152 : i32 to index
        %get3A_164 = arith.constant 16 : index
        %get3A_165 = tpu.vector_load %arg10[%get3A_163, %get3A_164] {strides = array<i32>} : memref<128x128xf32, #tpu.memory_space<vmem>>, vector<1x16xf32>,
        %get3A_166 = vector.shape_cast %get3A_165 : vector<1x16xf32> to vector<16xf32>
        %mul3A_167 = arith.mulf %get3A_166, %gather3A_148 : vector<16xf32>
        %swap3A_168 = arith.index_cast %add3A_152 : i32 to index
        %swap3A_169 = arith.constant 16 : index
        %swap3A_170 = tpu.vector_load %arg10[%swap3A_168, %swap3A_169] {strides = array<i32>} : memref<128x128xf32, #tpu.memory_space<vmem>>, vector<1x16xf32>,
        %swap3A_171 = vector.shape_cast %swap3A_170 : vector<1x16xf32> to vector<16xf32>
        %swap3A_172 = vector.shape_cast %mul3A_167 : vector<16xf32> to vector<1x16xf32>
        tpu.vector_store %arg10[%swap3A_168, %swap3A_169], %swap3A_172 {strides = array<i32>} : memref<128x128xf32, #tpu.memory_space<vmem>>, vector<1x16xf32>,
        %get3A_173 = arith.index_cast %add3A_152 : i32 to index
        %get3A_174 = arith.constant 32 : index
        %get3A_175 = tpu.vector_load %arg10[%get3A_173, %get3A_174] {strides = array<i32>} : memref<128x128xf32, #tpu.memory_space<vmem>>, vector<1x16xf32>,
        %get3A_176 = vector.shape_cast %get3A_175 : vector<1x16xf32> to vector<16xf32>
        %mul3A_177 = arith.mulf %get3A_176, %gather3A_148 : vector<16xf32>
        %swap3A_178 = arith.index_cast %add3A_152 : i32 to index
        %swap3A_179 = arith.constant 32 : index
        %swap3A_180 = tpu.vector_load %arg10[%swap3A_178, %swap3A_179] {strides = array<i32>} : memref<128x128xf32, #tpu.memory_space<vmem>>, vector<1x16xf32>,
        %swap3A_181 = vector.shape_cast %swap3A_180 : vector<1x16xf32> to vector<16xf32>
        %swap3A_182 = vector.shape_cast %mul3A_177 : vector<16xf32> to vector<1x16xf32>
        tpu.vector_store %arg10[%swap3A_178, %swap3A_179], %swap3A_182 {strides = array<i32>} : memref<128x128xf32, #tpu.memory_space<vmem>>, vector<1x16xf32>,
        %get3A_183 = arith.index_cast %add3A_152 : i32 to index
        %get3A_184 = arith.constant 48 : index
        %get3A_185 = tpu.vector_load %arg10[%get3A_183, %get3A_184] {strides = array<i32>} : memref<128x128xf32, #tpu.memory_space<vmem>>, vector<1x16xf32>,
        %get3A_186 = vector.shape_cast %get3A_185 : vector<1x16xf32> to vector<16xf32>
        %mul3A_187 = arith.mulf %get3A_186, %gather3A_148 : vector<16xf32>
        %swap3A_188 = arith.index_cast %add3A_152 : i32 to index
        %swap3A_189 = arith.constant 48 : index
        %swap3A_190 = tpu.vector_load %arg10[%swap3A_188, %swap3A_189] {strides = array<i32>} : memref<128x128xf32, #tpu.memory_space<vmem>>, vector<1x16xf32>,
        %swap3A_191 = vector.shape_cast %swap3A_190 : vector<1x16xf32> to vector<16xf32>
        %swap3A_192 = vector.shape_cast %mul3A_187 : vector<16xf32> to vector<1x16xf32>
        tpu.vector_store %arg10[%swap3A_188, %swap3A_189], %swap3A_192 {strides = array<i32>} : memref<128x128xf32, #tpu.memory_space<vmem>>, vector<1x16xf32>,
        %get3A_193 = arith.index_cast %add3A_152 : i32 to index
        %get3A_194 = arith.constant 64 : index
        %get3A_195 = tpu.vector_load %arg10[%get3A_193, %get3A_194] {strides = array<i32>} : memref<128x128xf32, #tpu.memory_space<vmem>>, vector<1x16xf32>,
        %get3A_196 = vector.shape_cast %get3A_195 : vector<1x16xf32> to vector<16xf32>
        %mul3A_197 = arith.mulf %get3A_196, %gather3A_148 : vector<16xf32>
        %swap3A_198 = arith.index_cast %add3A_152 : i32 to index
        %swap3A_199 = arith.constant 64 : index
        %swap3A_200 = tpu.vector_load %arg10[%swap3A_198, %swap3A_199] {strides = array<i32>} : memref<128x128xf32, #tpu.memory_space<vmem>>, vector<1x16xf32>,
        %swap3A_201 = vector.shape_cast %swap3A_200 : vector<1x16xf32> to vector<16xf32>
        %swap3A_202 = vector.shape_cast %mul3A_197 : vector<16xf32> to vector<1x16xf32>
        tpu.vector_store %arg10[%swap3A_198, %swap3A_199], %swap3A_202 {strides = array<i32>} : memref<128x128xf32, #tpu.memory_space<vmem>>, vector<1x16xf32>,
        %get3A_203 = arith.index_cast %add3A_152 : i32 to index
        %get3A_204 = arith.constant 80 : index
        %get3A_205 = tpu.vector_load %arg10[%get3A_203, %get3A_204] {strides = array<i32>} : memref<128x128xf32, #tpu.memory_space<vmem>>, vector<1x16xf32>,
        %get3A_206 = vector.shape_cast %get3A_205 : vector<1x16xf32> to vector<16xf32>
        %mul3A_207 = arith.mulf %get3A_206, %gather3A_148 : vector<16xf32>
        %swap3A_208 = arith.index_cast %add3A_152 : i32 to index
        %swap3A_209 = arith.constant 80 : index
        %swap3A_210 = tpu.vector_load %arg10[%swap3A_208, %swap3A_209] {strides = array<i32>} : memref<128x128xf32, #tpu.memory_space<vmem>>, vector<1x16xf32>,
        %swap3A_211 = vector.shape_cast %swap3A_210 : vector<1x16xf32> to vector<16xf32>
        %swap3A_212 = vector.shape_cast %mul3A_207 : vector<16xf32> to vector<1x16xf32>
        tpu.vector_store %arg10[%swap3A_208, %swap3A_209], %swap3A_212 {strides = array<i32>} : memref<128x128xf32, #tpu.memory_space<vmem>>, vector<1x16xf32>,
        %get3A_213 = arith.index_cast %add3A_152 : i32 to index
        %get3A_214 = arith.constant 96 : index
        %get3A_215 = tpu.vector_load %arg10[%get3A_213, %get3A_214] {strides = array<i32>} : memref<128x128xf32, #tpu.memory_space<vmem>>, vector<1x16xf32>,
        %get3A_216 = vector.shape_cast %get3A_215 : vector<1x16xf32> to vector<16xf32>
        %mul3A_217 = arith.mulf %get3A_216, %gather3A_148 : vector<16xf32>
        %swap3A_218 = arith.index_cast %add3A_152 : i32 to index
        %swap3A_219 = arith.constant 96 : index
        %swap3A_220 = tpu.vector_load %arg10[%swap3A_218, %swap3A_219] {strides = array<i32>} : memref<128x128xf32, #tpu.memory_space<vmem>>, vector<1x16xf32>,
        %swap3A_221 = vector.shape_cast %swap3A_220 : vector<1x16xf32> to vector<16xf32>
        %swap3A_222 = vector.shape_cast %mul3A_217 : vector<16xf32> to vector<1x16xf32>
        tpu.vector_store %arg10[%swap3A_218, %swap3A_219], %swap3A_222 {strides = array<i32>} : memref<128x128xf32, #tpu.memory_space<vmem>>, vector<1x16xf32>,
        %get3A_223 = arith.index_cast %add3A_152 : i32 to index
        %get3A_224 = arith.constant 112 : index
        %get3A_225 = tpu.vector_load %arg10[%get3A_223, %get3A_224] {strides = array<i32>} : memref<128x128xf32, #tpu.memory_space<vmem>>, vector<1x16xf32>,
        %get3A_226 = vector.shape_cast %get3A_225 : vector<1x16xf32> to vector<16xf32>
        %mul3A_227 = arith.mulf %get3A_226, %gather3A_148 : vector<16xf32>
        %swap3A_228 = arith.index_cast %add3A_152 : i32 to index
        %swap3A_229 = arith.constant 112 : index
        %swap3A_230 = tpu.vector_load %arg10[%swap3A_228, %swap3A_229] {strides = array<i32>} : memref<128x128xf32, #tpu.memory_space<vmem>>, vector<1x16xf32>,
        %swap3A_231 = vector.shape_cast %swap3A_230 : vector<1x16xf32> to vector<16xf32>
        %swap3A_232 = vector.shape_cast %mul3A_227 : vector<16xf32> to vector<1x16xf32>
        tpu.vector_store %arg10[%swap3A_228, %swap3A_229], %swap3A_232 {strides = array<i32>} : memref<128x128xf32, #tpu.memory_space<vmem>>, vector<1x16xf32>,
        %broadcast_in_dim3A_233 = arith.constant 2 : i32
        %broadcast_in_dim3A_234 = vector.broadcast %broadcast_in_dim3A_233 : i32 to vector<16x1xi32>
        %gather3A_235 = vector.shape_cast %broadcast_in_dim3A_234 : vector<16x1xi32> to vector<16xi32>
        %gather3A_236 = tpu.dynamic_gather %get3A_59[%gather3A_235] in [0] : vector<16xf32>, vector<16xi32> -> vector<16xf32>
        %mul3A_237 = arith.constant 16 : i32
        %mul3A_238 = arith.muli %scan3A_54, %mul3A_237 : i32
        %add3A_239 = arith.constant 2 : i32
        %add3A_240 = arith.addi %mul3A_238, %add3A_239 : i32
        %get3A_241 = arith.index_cast %add3A_240 : i32 to index
        %get3A_242 = arith.constant 0 : index
        %get3A_243 = tpu.vector_load %arg10[%get3A_241, %get3A_242] {strides = array<i32>} : memref<128x128xf32, #tpu.memory_space<vmem>>, vector<1x16xf32>,
        %get3A_244 = vector.shape_cast %get3A_243 : vector<1x16xf32> to vector<16xf32>
        %mul3A_245 = arith.mulf %get3A_244, %gather3A_236 : vector<16xf32>
        %swap3A_246 = arith.index_cast %add3A_240 : i32 to index
        %swap3A_247 = arith.constant 0 : index
        %swap3A_248 = tpu.vector_load %arg10[%swap3A_246, %swap3A_247] {strides = array<i32>} : memref<128x128xf32, #tpu.memory_space<vmem>>, vector<1x16xf32>,
        %swap3A_249 = vector.shape_cast %swap3A_248 : vector<1x16xf32> to vector<16xf32>
        %swap3A_250 = vector.shape_cast %mul3A_245 : vector<16xf32> to vector<1x16xf32>
        tpu.vector_store %arg10[%swap3A_246, %swap3A_247], %swap3A_250 {strides = array<i32>} : memref<128x128xf32, #tpu.memory_space<vmem>>, vector<1x16xf32>,
        %get3A_251 = arith.index_cast %add3A_240 : i32 to index
        %get3A_252 = arith.constant 16 : index
        %get3A_253 = tpu.vector_load %arg10[%get3A_251, %get3A_252] {strides = array<i32>} : memref<128x128xf32, #tpu.memory_space<vmem>>, vector<1x16xf32>,
        %get3A_254 = vector.shape_cast %get3A_253 : vector<1x16xf32> to vector<16xf32>
        %mul3A_255 = arith.mulf %get3A_254, %gather3A_236 : vector<16xf32>
        %swap3A_256 = arith.index_cast %add3A_240 : i32 to index
        %swap3A_257 = arith.constant 16 : index
        %swap3A_258 = tpu.vector_load %arg10[%swap3A_256, %swap3A_257] {strides = array<i32>} : memref<128x128xf32, #tpu.memory_space<vmem>>, vector<1x16xf32>,
        %swap3A_259 = vector.shape_cast %swap3A_258 : vector<1x16xf32> to vector<16xf32>
        %swap3A_260 = vector.shape_cast %mul3A_255 : vector<16xf32> to vector<1x16xf32>
        tpu.vector_store %arg10[%swap3A_256, %swap3A_257], %swap3A_260 {strides = array<i32>} : memref<128x128xf32, #tpu.memory_space<vmem>>, vector<1x16xf32>,
        %get3A_261 = arith.index_cast %add3A_240 : i32 to index
        %get3A_262 = arith.constant 32 : index
        %get3A_263 = tpu.vector_load %arg10[%get3A_261, %get3A_262] {strides = array<i32>} : memref<128x128xf32, #tpu.memory_space<vmem>>, vector<1x16xf32>,
        %get3A_264 = vector.shape_cast %get3A_263 : vector<1x16xf32> to vector<16xf32>
        %mul3A_265 = arith.mulf %get3A_264, %gather3A_236 : vector<16xf32>
        %swap3A_266 = arith.index_cast %add3A_240 : i32 to index
        %swap3A_267 = arith.constant 32 : index
        %swap3A_268 = tpu.vector_load %arg10[%swap3A_266, %swap3A_267] {strides = array<i32>} : memref<128x128xf32, #tpu.memory_space<vmem>>, vector<1x16xf32>,
        %swap3A_269 = vector.shape_cast %swap3A_268 : vector<1x16xf32> to vector<16xf32>
        %swap3A_270 = vector.shape_cast %mul3A_265 : vector<16xf32> to vector<1x16xf32>
        tpu.vector_store %arg10[%swap3A_266, %swap3A_267], %swap3A_270 {strides = array<i32>} : memref<128x128xf32, #tpu.memory_space<vmem>>, vector<1x16xf32>,
        %get3A_271 = arith.index_cast %add3A_240 : i32 to index
        %get3A_272 = arith.constant 48 : index
        %get3A_273 = tpu.vector_load %arg10[%get3A_271, %get3A_272] {strides = array<i32>} : memref<128x128xf32, #tpu.memory_space<vmem>>, vector<1x16xf32>,
        %get3A_274 = vector.shape_cast %get3A_273 : vector<1x16xf32> to vector<16xf32>
        %mul3A_275 = arith.mulf %get3A_274, %gather3A_236 : vector<16xf32>
        %swap3A_276 = arith.index_cast %add3A_240 : i32 to index
        %swap3A_277 = arith.constant 48 : index
        %swap3A_278 = tpu.vector_load %arg10[%swap3A_276, %swap3A_277] {strides = array<i32>} : memref<128x128xf32, #tpu.memory_space<vmem>>, vector<1x16xf32>,
        %swap3A_279 = vector.shape_cast %swap3A_278 : vector<1x16xf32> to vector<16xf32>
        %swap3A_280 = vector.shape_cast %mul3A_275 : vector<16xf32> to vector<1x16xf32>
        tpu.vector_store %arg10[%swap3A_276, %swap3A_277], %swap3A_280 {strides = array<i32>} : memref<128x128xf32, #tpu.memory_space<vmem>>, vector<1x16xf32>,
        %get3A_281 = arith.index_cast %add3A_240 : i32 to index
        %get3A_282 = arith.constant 64 : index
        %get3A_283 = tpu.vector_load %arg10[%get3A_281, %get3A_282] {strides = array<i32>} : memref<128x128xf32, #tpu.memory_space<vmem>>, vector<1x16xf32>,
        %get3A_284 = vector.shape_cast %get3A_283 : vector<1x16xf32> to vector<16xf32>
        %mul3A_285 = arith.mulf %get3A_284, %gather3A_236 : vector<16xf32>
        %swap3A_286 = arith.index_cast %add3A_240 : i32 to index
        %swap3A_287 = arith.constant 64 : index
        %swap3A_288 = tpu.vector_load %arg10[%swap3A_286, %swap3A_287] {strides = array<i32>} : memref<128x128xf32, #tpu.memory_space<vmem>>, vector<1x16xf32>,
        %swap3A_289 = vector.shape_cast %swap3A_288 : vector<1x16xf32> to vector<16xf32>
        %swap3A_290 = vector.shape_cast %mul3A_285 : vector<16xf32> to vector<1x16xf32>
        tpu.vector_store %arg10[%swap3A_286, %swap3A_287], %swap3A_290 {strides = array<i32>} : memref<128x128xf32, #tpu.memory_space<vmem>>, vector<1x16xf32>,
        %get3A_291 = arith.index_cast %add3A_240 : i32 to index
        %get3A_292 = arith.constant 80 : index
        %get3A_293 = tpu.vector_load %arg10[%get3A_291, %get3A_292] {strides = array<i32>} : memref<128x128xf32, #tpu.memory_space<vmem>>, vector<1x16xf32>,
        %get3A_294 = vector.shape_cast %get3A_293 : vector<1x16xf32> to vector<16xf32>
        %mul3A_295 = arith.mulf %get3A_294, %gather3A_236 : vector<16xf32>
        %swap3A_296 = arith.index_cast %add3A_240 : i32 to index
        %swap3A_297 = arith.constant 80 : index
        %swap3A_298 = tpu.vector_load %arg10[%swap3A_296, %swap3A_297] {strides = array<i32>} : memref<128x128xf32, #tpu.memory_space<vmem>>, vector<1x16xf32>,
        %swap3A_299 = vector.shape_cast %swap3A_298 : vector<1x16xf32> to vector<16xf32>
        %swap3A_300 = vector.shape_cast %mul3A_295 : vector<16xf32> to vector<1x16xf32>
        tpu.vector_store %arg10[%swap3A_296, %swap3A_297], %swap3A_300 {strides = array<i32>} : memref<128x128xf32, #tpu.memory_space<vmem>>, vector<1x16xf32>,
        %get3A_301 = arith.index_cast %add3A_240 : i32 to index
        %get3A_302 = arith.constant 96 : index
        %get3A_303 = tpu.vector_load %arg10[%get3A_301, %get3A_302] {strides = array<i32>} : memref<128x128xf32, #tpu.memory_space<vmem>>, vector<1x16xf32>,
        %get3A_304 = vector.shape_cast %get3A_303 : vector<1x16xf32> to vector<16xf32>
        %mul3A_305 = arith.mulf %get3A_304, %gather3A_236 : vector<16xf32>
        %swap3A_306 = arith.index_cast %add3A_240 : i32 to index
        %swap3A_307 = arith.constant 96 : index
        %swap3A_308 = tpu.vector_load %arg10[%swap3A_306, %swap3A_307] {strides = array<i32>} : memref<128x128xf32, #tpu.memory_space<vmem>>, vector<1x16xf32>,
        %swap3A_309 = vector.shape_cast %swap3A_308 : vector<1x16xf32> to vector<16xf32>
        %swap3A_310 = vector.shape_cast %mul3A_305 : vector<16xf32> to vector<1x16xf32>
        tpu.vector_store %arg10[%swap3A_306, %swap3A_307], %swap3A_310 {strides = array<i32>} : memref<128x128xf32, #tpu.memory_space<vmem>>, vector<1x16xf32>,
        %get3A_311 = arith.index_cast %add3A_240 : i32 to index
        %get3A_312 = arith.constant 112 : index
        %get3A_313 = tpu.vector_load %arg10[%get3A_311, %get3A_312] {strides = array<i32>} : memref<128x128xf32, #tpu.memory_space<vmem>>, vector<1x16xf32>,
        %get3A_314 = vector.shape_cast %get3A_313 : vector<1x16xf32> to vector<16xf32>
        %mul3A_315 = arith.mulf %get3A_314, %gather3A_236 : vector<16xf32>
        %swap3A_316 = arith.index_cast %add3A_240 : i32 to index
        %swap3A_317 = arith.constant 112 : index
        %swap3A_318 = tpu.vector_load %arg10[%swap3A_316, %swap3A_317] {strides = array<i32>} : memref<128x128xf32, #tpu.memory_space<vmem>>, vector<1x16xf32>,
        %swap3A_319 = vector.shape_cast %swap3A_318 : vector<1x16xf32> to vector<16xf32>
        %swap3A_320 = vector.shape_cast %mul3A_315 : vector<16xf32> to vector<1x16xf32>
        tpu.vector_store %arg10[%swap3A_316, %swap3A_317], %swap3A_320 {strides = array<i32>} : memref<128x128xf32, #tpu.memory_space<vmem>>, vector<1x16xf32>,
        %broadcast_in_dim3A_321 = arith.constant 3 : i32
        %broadcast_in_dim3A_322 = vector.broadcast %broadcast_in_dim3A_321 : i32 to vector<16x1xi32>
        %gather3A_323 = vector.shape_cast %broadcast_in_dim3A_322 : vector<16x1xi32> to vector<16xi32>
        %gather3A_324 = tpu.dynamic_gather %get3A_59[%gather3A_323] in [0] : vector<16xf32>, vector<16xi32> -> vector<16xf32>
        %mul3A_325 = arith.constant 16 : i32
        %mul3A_326 = arith.muli %scan3A_54, %mul3A_325 : i32
        %add3A_327 = arith.constant 3 : i32
        %add3A_328 = arith.addi %mul3A_326, %add3A_327 : i32
        %get3A_329 = arith.index_cast %add3A_328 : i32 to index
        %get3A_330 = arith.constant 0 : index
        %get3A_331 = tpu.vector_load %arg10[%get3A_329, %get3A_330] {strides = array<i32>} : memref<128x128xf32, #tpu.memory_space<vmem>>, vector<1x16xf32>,
        %get3A_332 = vector.shape_cast %get3A_331 : vector<1x16xf32> to vector<16xf32>
        %mul3A_333 = arith.mulf %get3A_332, %gather3A_324 : vector<16xf32>
        %swap3A_334 = arith.index_cast %add3A_328 : i32 to index
        %swap3A_335 = arith.constant 0 : index
        %swap3A_336 = tpu.vector_load %arg10[%swap3A_334, %swap3A_335] {strides = array<i32>} : memref<128x128xf32, #tpu.memory_space<vmem>>, vector<1x16xf32>,
        %swap3A_337 = vector.shape_cast %swap3A_336 : vector<1x16xf32> to vector<16xf32>
        %swap3A_338 = vector.shape_cast %mul3A_333 : vector<16xf32> to vector<1x16xf32>
        tpu.vector_store %arg10[%swap3A_334, %swap3A_335], %swap3A_338 {strides = array<i32>} : memref<128x128xf32, #tpu.memory_space<vmem>>, vector<1x16xf32>,
        %get3A_339 = arith.index_cast %add3A_328 : i32 to index
        %get3A_340 = arith.constant 16 : index
        %get3A_341 = tpu.vector_load %arg10[%get3A_339, %get3A_340] {strides = array<i32>} : memref<128x128xf32, #tpu.memory_space<vmem>>, vector<1x16xf32>,
        %get3A_342 = vector.shape_cast %get3A_341 : vector<1x16xf32> to vector<16xf32>
        %mul3A_343 = arith.mulf %get3A_342, %gather3A_324 : vector<16xf32>
        %swap3A_344 = arith.index_cast %add3A_328 : i32 to index
        %swap3A_345 = arith.constant 16 : index
        %swap3A_346 = tpu.vector_load %arg10[%swap3A_344, %swap3A_345] {strides = array<i32>} : memref<128x128xf32, #tpu.memory_space<vmem>>, vector<1x16xf32>,
        %swap3A_347 = vector.shape_cast %swap3A_346 : vector<1x16xf32> to vector<16xf32>
        %swap3A_348 = vector.shape_cast %mul3A_343 : vector<16xf32> to vector<1x16xf32>
        tpu.vector_store %arg10[%swap3A_344, %swap3A_345], %swap3A_348 {strides = array<i32>} : memref<128x128xf32, #tpu.memory_space<vmem>>, vector<1x16xf32>,
        %get3A_349 = arith.index_cast %add3A_328 : i32 to index
        %get3A_350 = arith.constant 32 : index
        %get3A_351 = tpu.vector_load %arg10[%get3A_349, %get3A_350] {strides = array<i32>} : memref<128x128xf32, #tpu.memory_space<vmem>>, vector<1x16xf32>,
        %get3A_352 = vector.shape_cast %get3A_351 : vector<1x16xf32> to vector<16xf32>
        %mul3A_353 = arith.mulf %get3A_352, %gather3A_324 : vector<16xf32>
        %swap3A_354 = arith.index_cast %add3A_328 : i32 to index
        %swap3A_355 = arith.constant 32 : index
        %swap3A_356 = tpu.vector_load %arg10[%swap3A_354, %swap3A_355] {strides = array<i32>} : memref<128x128xf32, #tpu.memory_space<vmem>>, vector<1x16xf32>,
        %swap3A_357 = vector.shape_cast %swap3A_356 : vector<1x16xf32> to vector<16xf32>
        %swap3A_358 = vector.shape_cast %mul3A_353 : vector<16xf32> to vector<1x16xf32>
        tpu.vector_store %arg10[%swap3A_354, %swap3A_355], %swap3A_358 {strides = array<i32>} : memref<128x128xf32, #tpu.memory_space<vmem>>, vector<1x16xf32>,
        %get3A_359 = arith.index_cast %add3A_328 : i32 to index
        %get3A_360 = arith.constant 48 : index
        %get3A_361 = tpu.vector_load %arg10[%get3A_359, %get3A_360] {strides = array<i32>} : memref<128x128xf32, #tpu.memory_space<vmem>>, vector<1x16xf32>,
        %get3A_362 = vector.shape_cast %get3A_361 : vector<1x16xf32> to vector<16xf32>
        %mul3A_363 = arith.mulf %get3A_362, %gather3A_324 : vector<16xf32>
        %swap3A_364 = arith.index_cast %add3A_328 : i32 to index
        %swap3A_365 = arith.constant 48 : index
        %swap3A_366 = tpu.vector_load %arg10[%swap3A_364, %swap3A_365] {strides = array<i32>} : memref<128x128xf32, #tpu.memory_space<vmem>>, vector<1x16xf32>,
        %swap3A_367 = vector.shape_cast %swap3A_366 : vector<1x16xf32> to vector<16xf32>
        %swap3A_368 = vector.shape_cast %mul3A_363 : vector<16xf32> to vector<1x16xf32>
        tpu.vector_store %arg10[%swap3A_364, %swap3A_365], %swap3A_368 {strides = array<i32>} : memref<128x128xf32, #tpu.memory_space<vmem>>, vector<1x16xf32>,
        %get3A_369 = arith.index_cast %add3A_328 : i32 to index
        %get3A_370 = arith.constant 64 : index
        %get3A_371 = tpu.vector_load %arg10[%get3A_369, %get3A_370] {strides = array<i32>} : memref<128x128xf32, #tpu.memory_space<vmem>>, vector<1x16xf32>,
        %get3A_372 = vector.shape_cast %get3A_371 : vector<1x16xf32> to vector<16xf32>
        %mul3A_373 = arith.mulf %get3A_372, %gather3A_324 : vector<16xf32>
        %swap3A_374 = arith.index_cast %add3A_328 : i32 to index
        %swap3A_375 = arith.constant 64 : index
        %swap3A_376 = tpu.vector_load %arg10[%swap3A_374, %swap3A_375] {strides = array<i32>} : memref<128x128xf32, #tpu.memory_space<vmem>>, vector<1x16xf32>,
        %swap3A_377 = vector.shape_cast %swap3A_376 : vector<1x16xf32> to vector<16xf32>
        %swap3A_378 = vector.shape_cast %mul3A_373 : vector<16xf32> to vector<1x16xf32>
        tpu.vector_store %arg10[%swap3A_374, %swap3A_375], %swap3A_378 {strides = array<i32>} : memref<128x128xf32, #tpu.memory_space<vmem>>, vector<1x16xf32>,
        %get3A_379 = arith.index_cast %add3A_328 : i32 to index
        %get3A_380 = arith.constant 80 : index
        %get3A_381 = tpu.vector_load %arg10[%get3A_379, %get3A_380] {strides = array<i32>} : memref<128x128xf32, #tpu.memory_space<vmem>>, vector<1x16xf32>,
        %get3A_382 = vector.shape_cast %get3A_381 : vector<1x16xf32> to vector<16xf32>
        %mul3A_383 = arith.mulf %get3A_382, %gather3A_324 : vector<16xf32>
        %swap3A_384 = arith.index_cast %add3A_328 : i32 to index
        %swap3A_385 = arith.constant 80 : index
        %swap3A_386 = tpu.vector_load %arg10[%swap3A_384, %swap3A_385] {strides = array<i32>} : memref<128x128xf32, #tpu.memory_space<vmem>>, vector<1x16xf32>,
        %swap3A_387 = vector.shape_cast %swap3A_386 : vector<1x16xf32> to vector<16xf32>
        %swap3A_388 = vector.shape_cast %mul3A_383 : vector<16xf32> to vector<1x16xf32>
        tpu.vector_store %arg10[%swap3A_384, %swap3A_385], %swap3A_388 {strides = array<i32>} : memref<128x128xf32, #tpu.memory_space<vmem>>, vector<1x16xf32>,
        %get3A_389 = arith.index_cast %add3A_328 : i32 to index
        %get3A_390 = arith.constant 96 : index
        %get3A_391 = tpu.vector_load %arg10[%get3A_389, %get3A_390] {strides = array<i32>} : memref<128x128xf32, #tpu.memory_space<vmem>>, vector<1x16xf32>,
        %get3A_392 = vector.shape_cast %get3A_391 : vector<1x16xf32> to vector<16xf32>
        %mul3A_393 = arith.mulf %get3A_392, %gather3A_324 : vector<16xf32>
        %swap3A_394 = arith.index_cast %add3A_328 : i32 to index
        %swap3A_395 = arith.constant 96 : index
        %swap3A_396 = tpu.vector_load %arg10[%swap3A_394, %swap3A_395] {strides = array<i32>} : memref<128x128xf32, #tpu.memory_space<vmem>>, vector<1x16xf32>,
        %swap3A_397 = vector.shape_cast %swap3A_396 : vector<1x16xf32> to vector<16xf32>
        %swap3A_398 = vector.shape_cast %mul3A_393 : vector<16xf32> to vector<1x16xf32>
        tpu.vector_store %arg10[%swap3A_394, %swap3A_395], %swap3A_398 {strides = array<i32>} : memref<128x128xf32, #tpu.memory_space<vmem>>, vector<1x16xf32>,
        %get3A_399 = arith.index_cast %add3A_328 : i32 to index
        %get3A_400 = arith.constant 112 : index
        %get3A_401 = tpu.vector_load %arg10[%get3A_399, %get3A_400] {strides = array<i32>} : memref<128x128xf32, #tpu.memory_space<vmem>>, vector<1x16xf32>,
        %get3A_402 = vector.shape_cast %get3A_401 : vector<1x16xf32> to vector<16xf32>
        %mul3A_403 = arith.mulf %get3A_402, %gather3A_324 : vector<16xf32>
        %swap3A_404 = arith.index_cast %add3A_328 : i32 to index
        %swap3A_405 = arith.constant 112 : index
        %swap3A_406 = tpu.vector_load %arg10[%swap3A_404, %swap3A_405] {strides = array<i32>} : memref<128x128xf32, #tpu.memory_space<vmem>>, vector<1x16xf32>,
        %swap3A_407 = vector.shape_cast %swap3A_406 : vector<1x16xf32> to vector<16xf32>
        %swap3A_408 = vector.shape_cast %mul3A_403 : vector<16xf32> to vector<1x16xf32>
        tpu.vector_store %arg10[%swap3A_404, %swap3A_405], %swap3A_408 {strides = array<i32>} : memref<128x128xf32, #tpu.memory_space<vmem>>, vector<1x16xf32>,
        %broadcast_in_dim3A_409 = arith.constant 4 : i32
        %broadcast_in_dim3A_410 = vector.broadcast %broadcast_in_dim3A_409 : i32 to vector<16x1xi32>
        %gather3A_411 = vector.shape_cast %broadcast_in_dim3A_410 : vector<16x1xi32> to vector<16xi32>
        %gather3A_412 = tpu.dynamic_gather %get3A_59[%gather3A_411] in [0] : vector<16xf32>, vector<16xi32> -> vector<16xf32>
        %mul3A_413 = arith.constant 16 : i32
        %mul3A_414 = arith.muli %scan3A_54, %mul3A_413 : i32
        %add3A_415 = arith.constant 4 : i32
        %add3A_416 = arith.addi %mul3A_414, %add3A_415 : i32
        %get3A_417 = arith.index_cast %add3A_416 : i32 to index
        %get3A_418 = arith.constant 0 : index
        %get3A_419 = tpu.vector_load %arg10[%get3A_417, %get3A_418] {strides = array<i32>} : memref<128x128xf32, #tpu.memory_space<vmem>>, vector<1x16xf32>,
        %get3A_420 = vector.shape_cast %get3A_419 : vector<1x16xf32> to vector<16xf32>
        %mul3A_421 = arith.mulf %get3A_420, %gather3A_412 : vector<16xf32>
        %swap3A_422 = arith.index_cast %add3A_416 : i32 to index
        %swap3A_423 = arith.constant 0 : index
        %swap3A_424 = tpu.vector_load %arg10[%swap3A_422, %swap3A_423] {strides = array<i32>} : memref<128x128xf32, #tpu.memory_space<vmem>>, vector<1x16xf32>,
        %swap3A_425 = vector.shape_cast %swap3A_424 : vector<1x16xf32> to vector<16xf32>
        %swap3A_426 = vector.shape_cast %mul3A_421 : vector<16xf32> to vector<1x16xf32>
        tpu.vector_store %arg10[%swap3A_422, %swap3A_423], %swap3A_426 {strides = array<i32>} : memref<128x128xf32, #tpu.memory_space<vmem>>, vector<1x16xf32>,
        %get3A_427 = arith.index_cast %add3A_416 : i32 to index
        %get3A_428 = arith.constant 16 : index
        %get3A_429 = tpu.vector_load %arg10[%get3A_427, %get3A_428] {strides = array<i32>} : memref<128x128xf32, #tpu.memory_space<vmem>>, vector<1x16xf32>,
        %get3A_430 = vector.shape_cast %get3A_429 : vector<1x16xf32> to vector<16xf32>
        %mul3A_431 = arith.mulf %get3A_430, %gather3A_412 : vector<16xf32>
        %swap3A_432 = arith.index_cast %add3A_416 : i32 to index
        %swap3A_433 = arith.constant 16 : index
        %swap3A_434 = tpu.vector_load %arg10[%swap3A_432, %swap3A_433] {strides = array<i32>} : memref<128x128xf32, #tpu.memory_space<vmem>>, vector<1x16xf32>,
        %swap3A_435 = vector.shape_cast %swap3A_434 : vector<1x16xf32> to vector<16xf32>
        %swap3A_436 = vector.shape_cast %mul3A_431 : vector<16xf32> to vector<1x16xf32>
        tpu.vector_store %arg10[%swap3A_432, %swap3A_433], %swap3A_436 {strides = array<i32>} : memref<128x128xf32, #tpu.memory_space<vmem>>, vector<1x16xf32>,
        %get3A_437 = arith.index_cast %add3A_416 : i32 to index
        %get3A_438 = arith.constant 32 : index
        %get3A_439 = tpu.vector_load %arg10[%get3A_437, %get3A_438] {strides = array<i32>} : memref<128x128xf32, #tpu.memory_space<vmem>>, vector<1x16xf32>,
        %get3A_440 = vector.shape_cast %get3A_439 : vector<1x16xf32> to vector<16xf32>
        %mul3A_441 = arith.mulf %get3A_440, %gather3A_412 : vector<16xf32>
        %swap3A_442 = arith.index_cast %add3A_416 : i32 to index
        %swap3A_443 = arith.constant 32 : index
        %swap3A_444 = tpu.vector_load %arg10[%swap3A_442, %swap3A_443] {strides = array<i32>} : memref<128x128xf32, #tpu.memory_space<vmem>>, vector<1x16xf32>,
        %swap3A_445 = vector.shape_cast %swap3A_444 : vector<1x16xf32> to vector<16xf32>
        %swap3A_446 = vector.shape_cast %mul3A_441 : vector<16xf32> to vector<1x16xf32>
        tpu.vector_store %arg10[%swap3A_442, %swap3A_443], %swap3A_446 {strides = array<i32>} : memref<128x128xf32, #tpu.memory_space<vmem>>, vector<1x16xf32>,
        %get3A_447 = arith.index_cast %add3A_416 : i32 to index
        %get3A_448 = arith.constant 48 : index
        %get3A_449 = tpu.vector_load %arg10[%get3A_447, %get3A_448] {strides = array<i32>} : memref<128x128xf32, #tpu.memory_space<vmem>>, vector<1x16xf32>,
        %get3A_450 = vector.shape_cast %get3A_449 : vector<1x16xf32> to vector<16xf32>
        %mul3A_451 = arith.mulf %get3A_450, %gather3A_412 : vector<16xf32>
        %swap3A_452 = arith.index_cast %add3A_416 : i32 to index
        %swap3A_453 = arith.constant 48 : index
        %swap3A_454 = tpu.vector_load %arg10[%swap3A_452, %swap3A_453] {strides = array<i32>} : memref<128x128xf32, #tpu.memory_space<vmem>>, vector<1x16xf32>,
        %swap3A_455 = vector.shape_cast %swap3A_454 : vector<1x16xf32> to vector<16xf32>
        %swap3A_456 = vector.shape_cast %mul3A_451 : vector<16xf32> to vector<1x16xf32>
        tpu.vector_store %arg10[%swap3A_452, %swap3A_453], %swap3A_456 {strides = array<i32>} : memref<128x128xf32, #tpu.memory_space<vmem>>, vector<1x16xf32>,
        %get3A_457 = arith.index_cast %add3A_416 : i32 to index
        %get3A_458 = arith.constant 64 : index
        %get3A_459 = tpu.vector_load %arg10[%get3A_457, %get3A_458] {strides = array<i32>} : memref<128x128xf32, #tpu.memory_space<vmem>>, vector<1x16xf32>,
        %get3A_460 = vector.shape_cast %get3A_459 : vector<1x16xf32> to vector<16xf32>
        %mul3A_461 = arith.mulf %get3A_460, %gather3A_412 : vector<16xf32>
        %swap3A_462 = arith.index_cast %add3A_416 : i32 to index
        %swap3A_463 = arith.constant 64 : index
        %swap3A_464 = tpu.vector_load %arg10[%swap3A_462, %swap3A_463] {strides = array<i32>} : memref<128x128xf32, #tpu.memory_space<vmem>>, vector<1x16xf32>,
        %swap3A_465 = vector.shape_cast %swap3A_464 : vector<1x16xf32> to vector<16xf32>
        %swap3A_466 = vector.shape_cast %mul3A_461 : vector<16xf32> to vector<1x16xf32>
        tpu.vector_store %arg10[%swap3A_462, %swap3A_463], %swap3A_466 {strides = array<i32>} : memref<128x128xf32, #tpu.memory_space<vmem>>, vector<1x16xf32>,
        %get3A_467 = arith.index_cast %add3A_416 : i32 to index
        %get3A_468 = arith.constant 80 : index
        %get3A_469 = tpu.vector_load %arg10[%get3A_467, %get3A_468] {strides = array<i32>} : memref<128x128xf32, #tpu.memory_space<vmem>>, vector<1x16xf32>,
        %get3A_470 = vector.shape_cast %get3A_469 : vector<1x16xf32> to vector<16xf32>
        %mul3A_471 = arith.mulf %get3A_470, %gather3A_412 : vector<16xf32>
        %swap3A_472 = arith.index_cast %add3A_416 : i32 to index
        %swap3A_473 = arith.constant 80 : index
        %swap3A_474 = tpu.vector_load %arg10[%swap3A_472, %swap3A_473] {strides = array<i32>} : memref<128x128xf32, #tpu.memory_space<vmem>>, vector<1x16xf32>,
        %swap3A_475 = vector.shape_cast %swap3A_474 : vector<1x16xf32> to vector<16xf32>
        %swap3A_476 = vector.shape_cast %mul3A_471 : vector<16xf32> to vector<1x16xf32>
        tpu.vector_store %arg10[%swap3A_472, %swap3A_473], %swap3A_476 {strides = array<i32>} : memref<128x128xf32, #tpu.memory_space<vmem>>, vector<1x16xf32>,
        %get3A_477 = arith.index_cast %add3A_416 : i32 to index
        %get3A_478 = arith.constant 96 : index
        %get3A_479 = tpu.vector_load %arg10[%get3A_477, %get3A_478] {strides = array<i32>} : memref<128x128xf32, #tpu.memory_space<vmem>>, vector<1x16xf32>,
        %get3A_480 = vector.shape_cast %get3A_479 : vector<1x16xf32> to vector<16xf32>
        %mul3A_481 = arith.mulf %get3A_480, %gather3A_412 : vector<16xf32>
        %swap3A_482 = arith.index_cast %add3A_416 : i32 to index
        %swap3A_483 = arith.constant 96 : index
        %swap3A_484 = tpu.vector_load %arg10[%swap3A_482, %swap3A_483] {strides = array<i32>} : memref<128x128xf32, #tpu.memory_space<vmem>>, vector<1x16xf32>,
        %swap3A_485 = vector.shape_cast %swap3A_484 : vector<1x16xf32> to vector<16xf32>
        %swap3A_486 = vector.shape_cast %mul3A_481 : vector<16xf32> to vector<1x16xf32>
        tpu.vector_store %arg10[%swap3A_482, %swap3A_483], %swap3A_486 {strides = array<i32>} : memref<128x128xf32, #tpu.memory_space<vmem>>, vector<1x16xf32>,
        %get3A_487 = arith.index_cast %add3A_416 : i32 to index
        %get3A_488 = arith.constant 112 : index
        %get3A_489 = tpu.vector_load %arg10[%get3A_487, %get3A_488] {strides = array<i32>} : memref<128x128xf32, #tpu.memory_space<vmem>>, vector<1x16xf32>,
        %get3A_490 = vector.shape_cast %get3A_489 : vector<1x16xf32> to vector<16xf32>
        %mul3A_491 = arith.mulf %get3A_490, %gather3A_412 : vector<16xf32>
        %swap3A_492 = arith.index_cast %add3A_416 : i32 to index
        %swap3A_493 = arith.constant 112 : index
        %swap3A_494 = tpu.vector_load %arg10[%swap3A_492, %swap3A_493] {strides = array<i32>} : memref<128x128xf32, #tpu.memory_space<vmem>>, vector<1x16xf32>,
        %swap3A_495 = vector.shape_cast %swap3A_494 : vector<1x16xf32> to vector<16xf32>
        %swap3A_496 = vector.shape_cast %mul3A_491 : vector<16xf32> to vector<1x16xf32>
        tpu.vector_store %arg10[%swap3A_492, %swap3A_493], %swap3A_496 {strides = array<i32>} : memref<128x128xf32, #tpu.memory_space<vmem>>, vector<1x16xf32>,
        %broadcast_in_dim3A_497 = arith.constant 5 : i32
        %broadcast_in_dim3A_498 = vector.broadcast %broadcast_in_dim3A_497 : i32 to vector<16x1xi32>
        %gather3A_499 = vector.shape_cast %broadcast_in_dim3A_498 : vector<16x1xi32> to vector<16xi32>
        %gather3A_500 = tpu.dynamic_gather %get3A_59[%gather3A_499] in [0] : vector<16xf32>, vector<16xi32> -> vector<16xf32>
        %mul3A_501 = arith.constant 16 : i32
        %mul3A_502 = arith.muli %scan3A_54, %mul3A_501 : i32
        %add3A_503 = arith.constant 5 : i32
        %add3A_504 = arith.addi %mul3A_502, %add3A_503 : i32
        %get3A_505 = arith.index_cast %add3A_504 : i32 to index
        %get3A_506 = arith.constant 0 : index
        %get3A_507 = tpu.vector_load %arg10[%get3A_505, %get3A_506] {strides = array<i32>} : memref<128x128xf32, #tpu.memory_space<vmem>>, vector<1x16xf32>,
        %get3A_508 = vector.shape_cast %get3A_507 : vector<1x16xf32> to vector<16xf32>
        %mul3A_509 = arith.mulf %get3A_508, %gather3A_500 : vector<16xf32>
        %swap3A_510 = arith.index_cast %add3A_504 : i32 to index
        %swap3A_511 = arith.constant 0 : index
        %swap3A_512 = tpu.vector_load %arg10[%swap3A_510, %swap3A_511] {strides = array<i32>} : memref<128x128xf32, #tpu.memory_space<vmem>>, vector<1x16xf32>,
        %swap3A_513 = vector.shape_cast %swap3A_512 : vector<1x16xf32> to vector<16xf32>
        %swap3A_514 = vector.shape_cast %mul3A_509 : vector<16xf32> to vector<1x16xf32>
        tpu.vector_store %arg10[%swap3A_510, %swap3A_511], %swap3A_514 {strides = array<i32>} : memref<128x128xf32, #tpu.memory_space<vmem>>, vector<1x16xf32>,
        %get3A_515 = arith.index_cast %add3A_504 : i32 to index
        %get3A_516 = arith.constant 16 : index
        %get3A_517 = tpu.vector_load %arg10[%get3A_515, %get3A_516] {strides = array<i32>} : memref<128x128xf32, #tpu.memory_space<vmem>>, vector<1x16xf32>,
        %get3A_518 = vector.shape_cast %get3A_517 : vector<1x16xf32> to vector<16xf32>
        %mul3A_519 = arith.mulf %get3A_518, %gather3A_500 : vector<16xf32>
        %swap3A_520 = arith.index_cast %add3A_504 : i32 to index
        %swap3A_521 = arith.constant 16 : index
        %swap3A_522 = tpu.vector_load %arg10[%swap3A_520, %swap3A_521] {strides = array<i32>} : memref<128x128xf32, #tpu.memory_space<vmem>>, vector<1x16xf32>,
        %swap3A_523 = vector.shape_cast %swap3A_522 : vector<1x16xf32> to vector<16xf32>
        %swap3A_524 = vector.shape_cast %mul3A_519 : vector<16xf32> to vector<1x16xf32>
        tpu.vector_store %arg10[%swap3A_520, %swap3A_521], %swap3A_524 {strides = array<i32>} : memref<128x128xf32, #tpu.memory_space<vmem>>, vector<1x16xf32>,
        %get3A_525 = arith.index_cast %add3A_504 : i32 to index
        %get3A_526 = arith.constant 32 : index
        %get3A_527 = tpu.vector_load %arg10[%get3A_525, %get3A_526] {strides = array<i32>} : memref<128x128xf32, #tpu.memory_space<vmem>>, vector<1x16xf32>,
        %get3A_528 = vector.shape_cast %get3A_527 : vector<1x16xf32> to vector<16xf32>
        %mul3A_529 = arith.mulf %get3A_528, %gather3A_500 : vector<16xf32>
        %swap3A_530 = arith.index_cast %add3A_504 : i32 to index
        %swap3A_531 = arith.constant 32 : index
        %swap3A_532 = tpu.vector_load %arg10[%swap3A_530, %swap3A_531] {strides = array<i32>} : memref<128x128xf32, #tpu.memory_space<vmem>>, vector<1x16xf32>,
        %swap3A_533 = vector.shape_cast %swap3A_532 : vector<1x16xf32> to vector<16xf32>
        %swap3A_534 = vector.shape_cast %mul3A_529 : vector<16xf32> to vector<1x16xf32>
        tpu.vector_store %arg10[%swap3A_530, %swap3A_531], %swap3A_534 {strides = array<i32>} : memref<128x128xf32, #tpu.memory_space<vmem>>, vector<1x16xf32>,
        %get3A_535 = arith.index_cast %add3A_504 : i32 to index
        %get3A_536 = arith.constant 48 : index
        %get3A_537 = tpu.vector_load %arg10[%get3A_535, %get3A_536] {strides = array<i32>} : memref<128x128xf32, #tpu.memory_space<vmem>>, vector<1x16xf32>,
        %get3A_538 = vector.shape_cast %get3A_537 : vector<1x16xf32> to vector<16xf32>
        %mul3A_539 = arith.mulf %get3A_538, %gather3A_500 : vector<16xf32>
        %swap3A_540 = arith.index_cast %add3A_504 : i32 to index
        %swap3A_541 = arith.constant 48 : index
        %swap3A_542 = tpu.vector_load %arg10[%swap3A_540, %swap3A_541] {strides = array<i32>} : memref<128x128xf32, #tpu.memory_space<vmem>>, vector<1x16xf32>,
        %swap3A_543 = vector.shape_cast %swap3A_542 : vector<1x16xf32> to vector<16xf32>
        %swap3A_544 = vector.shape_cast %mul3A_539 : vector<16xf32> to vector<1x16xf32>
        tpu.vector_store %arg10[%swap3A_540, %swap3A_541], %swap3A_544 {strides = array<i32>} : memref<128x128xf32, #tpu.memory_space<vmem>>, vector<1x16xf32>,
        %get3A_545 = arith.index_cast %add3A_504 : i32 to index
        %get3A_546 = arith.constant 64 : index
        %get3A_547 = tpu.vector_load %arg10[%get3A_545, %get3A_546] {strides = array<i32>} : memref<128x128xf32, #tpu.memory_space<vmem>>, vector<1x16xf32>,
        %get3A_548 = vector.shape_cast %get3A_547 : vector<1x16xf32> to vector<16xf32>
        %mul3A_549 = arith.mulf %get3A_548, %gather3A_500 : vector<16xf32>
        %swap3A_550 = arith.index_cast %add3A_504 : i32 to index
        %swap3A_551 = arith.constant 64 : index
        %swap3A_552 = tpu.vector_load %arg10[%swap3A_550, %swap3A_551] {strides = array<i32>} : memref<128x128xf32, #tpu.memory_space<vmem>>, vector<1x16xf32>,
        %swap3A_553 = vector.shape_cast %swap3A_552 : vector<1x16xf32> to vector<16xf32>
        %swap3A_554 = vector.shape_cast %mul3A_549 : vector<16xf32> to vector<1x16xf32>
        tpu.vector_store %arg10[%swap3A_550, %swap3A_551], %swap3A_554 {strides = array<i32>} : memref<128x128xf32, #tpu.memory_space<vmem>>, vector<1x16xf32>,
        %get3A_555 = arith.index_cast %add3A_504 : i32 to index
        %get3A_556 = arith.constant 80 : index
        %get3A_557 = tpu.vector_load %arg10[%get3A_555, %get3A_556] {strides = array<i32>} : memref<128x128xf32, #tpu.memory_space<vmem>>, vector<1x16xf32>,
        %get3A_558 = vector.shape_cast %get3A_557 : vector<1x16xf32> to vector<16xf32>
        %mul3A_559 = arith.mulf %get3A_558, %gather3A_500 : vector<16xf32>
        %swap3A_560 = arith.index_cast %add3A_504 : i32 to index
        %swap3A_561 = arith.constant 80 : index
        %swap3A_562 = tpu.vector_load %arg10[%swap3A_560, %swap3A_561] {strides = array<i32>} : memref<128x128xf32, #tpu.memory_space<vmem>>, vector<1x16xf32>,
        %swap3A_563 = vector.shape_cast %swap3A_562 : vector<1x16xf32> to vector<16xf32>
        %swap3A_564 = vector.shape_cast %mul3A_559 : vector<16xf32> to vector<1x16xf32>
        tpu.vector_store %arg10[%swap3A_560, %swap3A_561], %swap3A_564 {strides = array<i32>} : memref<128x128xf32, #tpu.memory_space<vmem>>, vector<1x16xf32>,
        %get3A_565 = arith.index_cast %add3A_504 : i32 to index
        %get3A_566 = arith.constant 96 : index
        %get3A_567 = tpu.vector_load %arg10[%get3A_565, %get3A_566] {strides = array<i32>} : memref<128x128xf32, #tpu.memory_space<vmem>>, vector<1x16xf32>,
        %get3A_568 = vector.shape_cast %get3A_567 : vector<1x16xf32> to vector<16xf32>
        %mul3A_569 = arith.mulf %get3A_568, %gather3A_500 : vector<16xf32>
        %swap3A_570 = arith.index_cast %add3A_504 : i32 to index
        %swap3A_571 = arith.constant 96 : index
        %swap3A_572 = tpu.vector_load %arg10[%swap3A_570, %swap3A_571] {strides = array<i32>} : memref<128x128xf32, #tpu.memory_space<vmem>>, vector<1x16xf32>,
        %swap3A_573 = vector.shape_cast %swap3A_572 : vector<1x16xf32> to vector<16xf32>
        %swap3A_574 = vector.shape_cast %mul3A_569 : vector<16xf32> to vector<1x16xf32>
        tpu.vector_store %arg10[%swap3A_570, %swap3A_571], %swap3A_574 {strides = array<i32>} : memref<128x128xf32, #tpu.memory_space<vmem>>, vector<1x16xf32>,
        %get3A_575 = arith.index_cast %add3A_504 : i32 to index
        %get3A_576 = arith.constant 112 : index
        %get3A_577 = tpu.vector_load %arg10[%get3A_575, %get3A_576] {strides = array<i32>} : memref<128x128xf32, #tpu.memory_space<vmem>>, vector<1x16xf32>,
        %get3A_578 = vector.shape_cast %get3A_577 : vector<1x16xf32> to vector<16xf32>
        %mul3A_579 = arith.mulf %get3A_578, %gather3A_500 : vector<16xf32>
        %swap3A_580 = arith.index_cast %add3A_504 : i32 to index
        %swap3A_581 = arith.constant 112 : index
        %swap3A_582 = tpu.vector_load %arg10[%swap3A_580, %swap3A_581] {strides = array<i32>} : memref<128x128xf32, #tpu.memory_space<vmem>>, vector<1x16xf32>,
        %swap3A_583 = vector.shape_cast %swap3A_582 : vector<1x16xf32> to vector<16xf32>
        %swap3A_584 = vector.shape_cast %mul3A_579 : vector<16xf32> to vector<1x16xf32>
        tpu.vector_store %arg10[%swap3A_580, %swap3A_581], %swap3A_584 {strides = array<i32>} : memref<128x128xf32, #tpu.memory_space<vmem>>, vector<1x16xf32>,
        %broadcast_in_dim3A_585 = arith.constant 6 : i32
        %broadcast_in_dim3A_586 = vector.broadcast %broadcast_in_dim3A_585 : i32 to vector<16x1xi32>
        %gather3A_587 = vector.shape_cast %broadcast_in_dim3A_586 : vector<16x1xi32> to vector<16xi32>
        %gather3A_588 = tpu.dynamic_gather %get3A_59[%gather3A_587] in [0] : vector<16xf32>, vector<16xi32> -> vector<16xf32>
        %mul3A_589 = arith.constant 16 : i32
        %mul3A_590 = arith.muli %scan3A_54, %mul3A_589 : i32
        %add3A_591 = arith.constant 6 : i32
        %add3A_592 = arith.addi %mul3A_590, %add3A_591 : i32
        %get3A_593 = arith.index_cast %add3A_592 : i32 to index
        %get3A_594 = arith.constant 0 : index
        %get3A_595 = tpu.vector_load %arg10[%get3A_593, %get3A_594] {strides = array<i32>} : memref<128x128xf32, #tpu.memory_space<vmem>>, vector<1x16xf32>,
        %get3A_596 = vector.shape_cast %get3A_595 : vector<1x16xf32> to vector<16xf32>
        %mul3A_597 = arith.mulf %get3A_596, %gather3A_588 : vector<16xf32>
        %swap3A_598 = arith.index_cast %add3A_592 : i32 to index
        %swap3A_599 = arith.constant 0 : index
        %swap3A_600 = tpu.vector_load %arg10[%swap3A_598, %swap3A_599] {strides = array<i32>} : memref<128x128xf32, #tpu.memory_space<vmem>>, vector<1x16xf32>,
        %swap3A_601 = vector.shape_cast %swap3A_600 : vector<1x16xf32> to vector<16xf32>
        %swap3A_602 = vector.shape_cast %mul3A_597 : vector<16xf32> to vector<1x16xf32>
        tpu.vector_store %arg10[%swap3A_598, %swap3A_599], %swap3A_602 {strides = array<i32>} : memref<128x128xf32, #tpu.memory_space<vmem>>, vector<1x16xf32>,
        %get3A_603 = arith.index_cast %add3A_592 : i32 to index
        %get3A_604 = arith.constant 16 : index
        %get3A_605 = tpu.vector_load %arg10[%get3A_603, %get3A_604] {strides = array<i32>} : memref<128x128xf32, #tpu.memory_space<vmem>>, vector<1x16xf32>,
        %get3A_606 = vector.shape_cast %get3A_605 : vector<1x16xf32> to vector<16xf32>
        %mul3A_607 = arith.mulf %get3A_606, %gather3A_588 : vector<16xf32>
        %swap3A_608 = arith.index_cast %add3A_592 : i32 to index
        %swap3A_609 = arith.constant 16 : index
        %swap3A_610 = tpu.vector_load %arg10[%swap3A_608, %swap3A_609] {strides = array<i32>} : memref<128x128xf32, #tpu.memory_space<vmem>>, vector<1x16xf32>,
        %swap3A_611 = vector.shape_cast %swap3A_610 : vector<1x16xf32> to vector<16xf32>
        %swap3A_612 = vector.shape_cast %mul3A_607 : vector<16xf32> to vector<1x16xf32>
        tpu.vector_store %arg10[%swap3A_608, %swap3A_609], %swap3A_612 {strides = array<i32>} : memref<128x128xf32, #tpu.memory_space<vmem>>, vector<1x16xf32>,
        %get3A_613 = arith.index_cast %add3A_592 : i32 to index
        %get3A_614 = arith.constant 32 : index
        %get3A_615 = tpu.vector_load %arg10[%get3A_613, %get3A_614] {strides = array<i32>} : memref<128x128xf32, #tpu.memory_space<vmem>>, vector<1x16xf32>,
        %get3A_616 = vector.shape_cast %get3A_615 : vector<1x16xf32> to vector<16xf32>
        %mul3A_617 = arith.mulf %get3A_616, %gather3A_588 : vector<16xf32>
        %swap3A_618 = arith.index_cast %add3A_592 : i32 to index
        %swap3A_619 = arith.constant 32 : index
        %swap3A_620 = tpu.vector_load %arg10[%swap3A_618, %swap3A_619] {strides = array<i32>} : memref<128x128xf32, #tpu.memory_space<vmem>>, vector<1x16xf32>,
        %swap3A_621 = vector.shape_cast %swap3A_620 : vector<1x16xf32> to vector<16xf32>
        %swap3A_622 = vector.shape_cast %mul3A_617 : vector<16xf32> to vector<1x16xf32>
        tpu.vector_store %arg10[%swap3A_618, %swap3A_619], %swap3A_622 {strides = array<i32>} : memref<128x128xf32, #tpu.memory_space<vmem>>, vector<1x16xf32>,
        %get3A_623 = arith.index_cast %add3A_592 : i32 to index
        %get3A_624 = arith.constant 48 : index
        %get3A_625 = tpu.vector_load %arg10[%get3A_623, %get3A_624] {strides = array<i32>} : memref<128x128xf32, #tpu.memory_space<vmem>>, vector<1x16xf32>,
        %get3A_626 = vector.shape_cast %get3A_625 : vector<1x16xf32> to vector<16xf32>
        %mul3A_627 = arith.mulf %get3A_626, %gather3A_588 : vector<16xf32>
        %swap3A_628 = arith.index_cast %add3A_592 : i32 to index
        %swap3A_629 = arith.constant 48 : index
        %swap3A_630 = tpu.vector_load %arg10[%swap3A_628, %swap3A_629] {strides = array<i32>} : memref<128x128xf32, #tpu.memory_space<vmem>>, vector<1x16xf32>,
        %swap3A_631 = vector.shape_cast %swap3A_630 : vector<1x16xf32> to vector<16xf32>
        %swap3A_632 = vector.shape_cast %mul3A_627 : vector<16xf32> to vector<1x16xf32>
        tpu.vector_store %arg10[%swap3A_628, %swap3A_629], %swap3A_632 {strides = array<i32>} : memref<128x128xf32, #tpu.memory_space<vmem>>, vector<1x16xf32>,
        %get3A_633 = arith.index_cast %add3A_592 : i32 to index
        %get3A_634 = arith.constant 64 : index
        %get3A_635 = tpu.vector_load %arg10[%get3A_633, %get3A_634] {strides = array<i32>} : memref<128x128xf32, #tpu.memory_space<vmem>>, vector<1x16xf32>,
        %get3A_636 = vector.shape_cast %get3A_635 : vector<1x16xf32> to vector<16xf32>
        %mul3A_637 = arith.mulf %get3A_636, %gather3A_588 : vector<16xf32>
        %swap3A_638 = arith.index_cast %add3A_592 : i32 to index
        %swap3A_639 = arith.constant 64 : index
        %swap3A_640 = tpu.vector_load %arg10[%swap3A_638, %swap3A_639] {strides = array<i32>} : memref<128x128xf32, #tpu.memory_space<vmem>>, vector<1x16xf32>,
        %swap3A_641 = vector.shape_cast %swap3A_640 : vector<1x16xf32> to vector<16xf32>
        %swap3A_642 = vector.shape_cast %mul3A_637 : vector<16xf32> to vector<1x16xf32>
        tpu.vector_store %arg10[%swap3A_638, %swap3A_639], %swap3A_642 {strides = array<i32>} : memref<128x128xf32, #tpu.memory_space<vmem>>, vector<1x16xf32>,
        %get3A_643 = arith.index_cast %add3A_592 : i32 to index
        %get3A_644 = arith.constant 80 : index
        %get3A_645 = tpu.vector_load %arg10[%get3A_643, %get3A_644] {strides = array<i32>} : memref<128x128xf32, #tpu.memory_space<vmem>>, vector<1x16xf32>,
        %get3A_646 = vector.shape_cast %get3A_645 : vector<1x16xf32> to vector<16xf32>
        %mul3A_647 = arith.mulf %get3A_646, %gather3A_588 : vector<16xf32>
        %swap3A_648 = arith.index_cast %add3A_592 : i32 to index
        %swap3A_649 = arith.constant 80 : index
        %swap3A_650 = tpu.vector_load %arg10[%swap3A_648, %swap3A_649] {strides = array<i32>} : memref<128x128xf32, #tpu.memory_space<vmem>>, vector<1x16xf32>,
        %swap3A_651 = vector.shape_cast %swap3A_650 : vector<1x16xf32> to vector<16xf32>
        %swap3A_652 = vector.shape_cast %mul3A_647 : vector<16xf32> to vector<1x16xf32>
        tpu.vector_store %arg10[%swap3A_648, %swap3A_649], %swap3A_652 {strides = array<i32>} : memref<128x128xf32, #tpu.memory_space<vmem>>, vector<1x16xf32>,
        %get3A_653 = arith.index_cast %add3A_592 : i32 to index
        %get3A_654 = arith.constant 96 : index
        %get3A_655 = tpu.vector_load %arg10[%get3A_653, %get3A_654] {strides = array<i32>} : memref<128x128xf32, #tpu.memory_space<vmem>>, vector<1x16xf32>,
        %get3A_656 = vector.shape_cast %get3A_655 : vector<1x16xf32> to vector<16xf32>
        %mul3A_657 = arith.mulf %get3A_656, %gather3A_588 : vector<16xf32>
        %swap3A_658 = arith.index_cast %add3A_592 : i32 to index
        %swap3A_659 = arith.constant 96 : index
        %swap3A_660 = tpu.vector_load %arg10[%swap3A_658, %swap3A_659] {strides = array<i32>} : memref<128x128xf32, #tpu.memory_space<vmem>>, vector<1x16xf32>,
        %swap3A_661 = vector.shape_cast %swap3A_660 : vector<1x16xf32> to vector<16xf32>
        %swap3A_662 = vector.shape_cast %mul3A_657 : vector<16xf32> to vector<1x16xf32>
        tpu.vector_store %arg10[%swap3A_658, %swap3A_659], %swap3A_662 {strides = array<i32>} : memref<128x128xf32, #tpu.memory_space<vmem>>, vector<1x16xf32>,
        %get3A_663 = arith.index_cast %add3A_592 : i32 to index
        %get3A_664 = arith.constant 112 : index
        %get3A_665 = tpu.vector_load %arg10[%get3A_663, %get3A_664] {strides = array<i32>} : memref<128x128xf32, #tpu.memory_space<vmem>>, vector<1x16xf32>,
        %get3A_666 = vector.shape_cast %get3A_665 : vector<1x16xf32> to vector<16xf32>
        %mul3A_667 = arith.mulf %get3A_666, %gather3A_588 : vector<16xf32>
        %swap3A_668 = arith.index_cast %add3A_592 : i32 to index
        %swap3A_669 = arith.constant 112 : index
        %swap3A_670 = tpu.vector_load %arg10[%swap3A_668, %swap3A_669] {strides = array<i32>} : memref<128x128xf32, #tpu.memory_space<vmem>>, vector<1x16xf32>,
        %swap3A_671 = vector.shape_cast %swap3A_670 : vector<1x16xf32> to vector<16xf32>
        %swap3A_672 = vector.shape_cast %mul3A_667 : vector<16xf32> to vector<1x16xf32>
        tpu.vector_store %arg10[%swap3A_668, %swap3A_669], %swap3A_672 {strides = array<i32>} : memref<128x128xf32, #tpu.memory_space<vmem>>, vector<1x16xf32>,
        %broadcast_in_dim3A_673 = arith.constant 7 : i32
        %broadcast_in_dim3A_674 = vector.broadcast %broadcast_in_dim3A_673 : i32 to vector<16x1xi32>
        %gather3A_675 = vector.shape_cast %broadcast_in_dim3A_674 : vector<16x1xi32> to vector<16xi32>
        %gather3A_676 = tpu.dynamic_gather %get3A_59[%gather3A_675] in [0] : vector<16xf32>, vector<16xi32> -> vector<16xf32>
        %mul3A_677 = arith.constant 16 : i32
        %mul3A_678 = arith.muli %scan3A_54, %mul3A_677 : i32
        %add3A_679 = arith.constant 7 : i32
        %add3A_680 = arith.addi %mul3A_678, %add3A_679 : i32
        %get3A_681 = arith.index_cast %add3A_680 : i32 to index
        %get3A_682 = arith.constant 0 : index
        %get3A_683 = tpu.vector_load %arg10[%get3A_681, %get3A_682] {strides = array<i32>} : memref<128x128xf32, #tpu.memory_space<vmem>>, vector<1x16xf32>,
        %get3A_684 = vector.shape_cast %get3A_683 : vector<1x16xf32> to vector<16xf32>
        %mul3A_685 = arith.mulf %get3A_684, %gather3A_676 : vector<16xf32>
        %swap3A_686 = arith.index_cast %add3A_680 : i32 to index
        %swap3A_687 = arith.constant 0 : index
        %swap3A_688 = tpu.vector_load %arg10[%swap3A_686, %swap3A_687] {strides = array<i32>} : memref<128x128xf32, #tpu.memory_space<vmem>>, vector<1x16xf32>,
        %swap3A_689 = vector.shape_cast %swap3A_688 : vector<1x16xf32> to vector<16xf32>
        %swap3A_690 = vector.shape_cast %mul3A_685 : vector<16xf32> to vector<1x16xf32>
        tpu.vector_store %arg10[%swap3A_686, %swap3A_687], %swap3A_690 {strides = array<i32>} : memref<128x128xf32, #tpu.memory_space<vmem>>, vector<1x16xf32>,
        %get3A_691 = arith.index_cast %add3A_680 : i32 to index
        %get3A_692 = arith.constant 16 : index
        %get3A_693 = tpu.vector_load %arg10[%get3A_691, %get3A_692] {strides = array<i32>} : memref<128x128xf32, #tpu.memory_space<vmem>>, vector<1x16xf32>,
        %get3A_694 = vector.shape_cast %get3A_693 : vector<1x16xf32> to vector<16xf32>
        %mul3A_695 = arith.mulf %get3A_694, %gather3A_676 : vector<16xf32>
        %swap3A_696 = arith.index_cast %add3A_680 : i32 to index
        %swap3A_697 = arith.constant 16 : index
        %swap3A_698 = tpu.vector_load %arg10[%swap3A_696, %swap3A_697] {strides = array<i32>} : memref<128x128xf32, #tpu.memory_space<vmem>>, vector<1x16xf32>,
        %swap3A_699 = vector.shape_cast %swap3A_698 : vector<1x16xf32> to vector<16xf32>
        %swap3A_700 = vector.shape_cast %mul3A_695 : vector<16xf32> to vector<1x16xf32>
        tpu.vector_store %arg10[%swap3A_696, %swap3A_697], %swap3A_700 {strides = array<i32>} : memref<128x128xf32, #tpu.memory_space<vmem>>, vector<1x16xf32>,
        %get3A_701 = arith.index_cast %add3A_680 : i32 to index
        %get3A_702 = arith.constant 32 : index
        %get3A_703 = tpu.vector_load %arg10[%get3A_701, %get3A_702] {strides = array<i32>} : memref<128x128xf32, #tpu.memory_space<vmem>>, vector<1x16xf32>,
        %get3A_704 = vector.shape_cast %get3A_703 : vector<1x16xf32> to vector<16xf32>
        %mul3A_705 = arith.mulf %get3A_704, %gather3A_676 : vector<16xf32>
        %swap3A_706 = arith.index_cast %add3A_680 : i32 to index
        %swap3A_707 = arith.constant 32 : index
        %swap3A_708 = tpu.vector_load %arg10[%swap3A_706, %swap3A_707] {strides = array<i32>} : memref<128x128xf32, #tpu.memory_space<vmem>>, vector<1x16xf32>,
        %swap3A_709 = vector.shape_cast %swap3A_708 : vector<1x16xf32> to vector<16xf32>
        %swap3A_710 = vector.shape_cast %mul3A_705 : vector<16xf32> to vector<1x16xf32>
        tpu.vector_store %arg10[%swap3A_706, %swap3A_707], %swap3A_710 {strides = array<i32>} : memref<128x128xf32, #tpu.memory_space<vmem>>, vector<1x16xf32>,
        %get3A_711 = arith.index_cast %add3A_680 : i32 to index
        %get3A_712 = arith.constant 48 : index
        %get3A_713 = tpu.vector_load %arg10[%get3A_711, %get3A_712] {strides = array<i32>} : memref<128x128xf32, #tpu.memory_space<vmem>>, vector<1x16xf32>,
        %get3A_714 = vector.shape_cast %get3A_713 : vector<1x16xf32> to vector<16xf32>
        %mul3A_715 = arith.mulf %get3A_714, %gather3A_676 : vector<16xf32>
        %swap3A_716 = arith.index_cast %add3A_680 : i32 to index
        %swap3A_717 = arith.constant 48 : index
        %swap3A_718 = tpu.vector_load %arg10[%swap3A_716, %swap3A_717] {strides = array<i32>} : memref<128x128xf32, #tpu.memory_space<vmem>>, vector<1x16xf32>,
        %swap3A_719 = vector.shape_cast %swap3A_718 : vector<1x16xf32> to vector<16xf32>
        %swap3A_720 = vector.shape_cast %mul3A_715 : vector<16xf32> to vector<1x16xf32>
        tpu.vector_store %arg10[%swap3A_716, %swap3A_717], %swap3A_720 {strides = array<i32>} : memref<128x128xf32, #tpu.memory_space<vmem>>, vector<1x16xf32>,
        %get3A_721 = arith.index_cast %add3A_680 : i32 to index
        %get3A_722 = arith.constant 64 : index
        %get3A_723 = tpu.vector_load %arg10[%get3A_721, %get3A_722] {strides = array<i32>} : memref<128x128xf32, #tpu.memory_space<vmem>>, vector<1x16xf32>,
        %get3A_724 = vector.shape_cast %get3A_723 : vector<1x16xf32> to vector<16xf32>
        %mul3A_725 = arith.mulf %get3A_724, %gather3A_676 : vector<16xf32>
        %swap3A_726 = arith.index_cast %add3A_680 : i32 to index
        %swap3A_727 = arith.constant 64 : index
        %swap3A_728 = tpu.vector_load %arg10[%swap3A_726, %swap3A_727] {strides = array<i32>} : memref<128x128xf32, #tpu.memory_space<vmem>>, vector<1x16xf32>,
        %swap3A_729 = vector.shape_cast %swap3A_728 : vector<1x16xf32> to vector<16xf32>
        %swap3A_730 = vector.shape_cast %mul3A_725 : vector<16xf32> to vector<1x16xf32>
        tpu.vector_store %arg10[%swap3A_726, %swap3A_727], %swap3A_730 {strides = array<i32>} : memref<128x128xf32, #tpu.memory_space<vmem>>, vector<1x16xf32>,
        %get3A_731 = arith.index_cast %add3A_680 : i32 to index
        %get3A_732 = arith.constant 80 : index
        %get3A_733 = tpu.vector_load %arg10[%get3A_731, %get3A_732] {strides = array<i32>} : memref<128x128xf32, #tpu.memory_space<vmem>>, vector<1x16xf32>,
        %get3A_734 = vector.shape_cast %get3A_733 : vector<1x16xf32> to vector<16xf32>
        %mul3A_735 = arith.mulf %get3A_734, %gather3A_676 : vector<16xf32>
        %swap3A_736 = arith.index_cast %add3A_680 : i32 to index
        %swap3A_737 = arith.constant 80 : index
        %swap3A_738 = tpu.vector_load %arg10[%swap3A_736, %swap3A_737] {strides = array<i32>} : memref<128x128xf32, #tpu.memory_space<vmem>>, vector<1x16xf32>,
        %swap3A_739 = vector.shape_cast %swap3A_738 : vector<1x16xf32> to vector<16xf32>
        %swap3A_740 = vector.shape_cast %mul3A_735 : vector<16xf32> to vector<1x16xf32>
        tpu.vector_store %arg10[%swap3A_736, %swap3A_737], %swap3A_740 {strides = array<i32>} : memref<128x128xf32, #tpu.memory_space<vmem>>, vector<1x16xf32>,
        %get3A_741 = arith.index_cast %add3A_680 : i32 to index
        %get3A_742 = arith.constant 96 : index
        %get3A_743 = tpu.vector_load %arg10[%get3A_741, %get3A_742] {strides = array<i32>} : memref<128x128xf32, #tpu.memory_space<vmem>>, vector<1x16xf32>,
        %get3A_744 = vector.shape_cast %get3A_743 : vector<1x16xf32> to vector<16xf32>
        %mul3A_745 = arith.mulf %get3A_744, %gather3A_676 : vector<16xf32>
        %swap3A_746 = arith.index_cast %add3A_680 : i32 to index
        %swap3A_747 = arith.constant 96 : index
        %swap3A_748 = tpu.vector_load %arg10[%swap3A_746, %swap3A_747] {strides = array<i32>} : memref<128x128xf32, #tpu.memory_space<vmem>>, vector<1x16xf32>,
        %swap3A_749 = vector.shape_cast %swap3A_748 : vector<1x16xf32> to vector<16xf32>
        %swap3A_750 = vector.shape_cast %mul3A_745 : vector<16xf32> to vector<1x16xf32>
        tpu.vector_store %arg10[%swap3A_746, %swap3A_747], %swap3A_750 {strides = array<i32>} : memref<128x128xf32, #tpu.memory_space<vmem>>, vector<1x16xf32>,
        %get3A_751 = arith.index_cast %add3A_680 : i32 to index
        %get3A_752 = arith.constant 112 : index
        %get3A_753 = tpu.vector_load %arg10[%get3A_751, %get3A_752] {strides = array<i32>} : memref<128x128xf32, #tpu.memory_space<vmem>>, vector<1x16xf32>,
        %get3A_754 = vector.shape_cast %get3A_753 : vector<1x16xf32> to vector<16xf32>
        %mul3A_755 = arith.mulf %get3A_754, %gather3A_676 : vector<16xf32>
        %swap3A_756 = arith.index_cast %add3A_680 : i32 to index
        %swap3A_757 = arith.constant 112 : index
        %swap3A_758 = tpu.vector_load %arg10[%swap3A_756, %swap3A_757] {strides = array<i32>} : memref<128x128xf32, #tpu.memory_space<vmem>>, vector<1x16xf32>,
        %swap3A_759 = vector.shape_cast %swap3A_758 : vector<1x16xf32> to vector<16xf32>
        %swap3A_760 = vector.shape_cast %mul3A_755 : vector<16xf32> to vector<1x16xf32>
        tpu.vector_store %arg10[%swap3A_756, %swap3A_757], %swap3A_760 {strides = array<i32>} : memref<128x128xf32, #tpu.memory_space<vmem>>, vector<1x16xf32>,
        %broadcast_in_dim3A_761 = arith.constant 8 : i32
        %broadcast_in_dim3A_762 = vector.broadcast %broadcast_in_dim3A_761 : i32 to vector<16x1xi32>
        %gather3A_763 = vector.shape_cast %broadcast_in_dim3A_762 : vector<16x1xi32> to vector<16xi32>
        %gather3A_764 = tpu.dynamic_gather %get3A_59[%gather3A_763] in [0] : vector<16xf32>, vector<16xi32> -> vector<16xf32>
        %mul3A_765 = arith.constant 16 : i32
        %mul3A_766 = arith.muli %scan3A_54, %mul3A_765 : i32
        %add3A_767 = arith.constant 8 : i32
        %add3A_768 = arith.addi %mul3A_766, %add3A_767 : i32
        %get3A_769 = arith.index_cast %add3A_768 : i32 to index
        %get3A_770 = arith.constant 0 : index
        %get3A_771 = tpu.vector_load %arg10[%get3A_769, %get3A_770] {strides = array<i32>} : memref<128x128xf32, #tpu.memory_space<vmem>>, vector<1x16xf32>,
        %get3A_772 = vector.shape_cast %get3A_771 : vector<1x16xf32> to vector<16xf32>
        %mul3A_773 = arith.mulf %get3A_772, %gather3A_764 : vector<16xf32>
        %swap3A_774 = arith.index_cast %add3A_768 : i32 to index
        %swap3A_775 = arith.constant 0 : index
        %swap3A_776 = tpu.vector_load %arg10[%swap3A_774, %swap3A_775] {strides = array<i32>} : memref<128x128xf32, #tpu.memory_space<vmem>>, vector<1x16xf32>,
        %swap3A_777 = vector.shape_cast %swap3A_776 : vector<1x16xf32> to vector<16xf32>
        %swap3A_778 = vector.shape_cast %mul3A_773 : vector<16xf32> to vector<1x16xf32>
        tpu.vector_store %arg10[%swap3A_774, %swap3A_775], %swap3A_778 {strides = array<i32>} : memref<128x128xf32, #tpu.memory_space<vmem>>, vector<1x16xf32>,
        %get3A_779 = arith.index_cast %add3A_768 : i32 to index
        %get3A_780 = arith.constant 16 : index
        %get3A_781 = tpu.vector_load %arg10[%get3A_779, %get3A_780] {strides = array<i32>} : memref<128x128xf32, #tpu.memory_space<vmem>>, vector<1x16xf32>,
        %get3A_782 = vector.shape_cast %get3A_781 : vector<1x16xf32> to vector<16xf32>
        %mul3A_783 = arith.mulf %get3A_782, %gather3A_764 : vector<16xf32>
        %swap3A_784 = arith.index_cast %add3A_768 : i32 to index
        %swap3A_785 = arith.constant 16 : index
        %swap3A_786 = tpu.vector_load %arg10[%swap3A_784, %swap3A_785] {strides = array<i32>} : memref<128x128xf32, #tpu.memory_space<vmem>>, vector<1x16xf32>,
        %swap3A_787 = vector.shape_cast %swap3A_786 : vector<1x16xf32> to vector<16xf32>
        %swap3A_788 = vector.shape_cast %mul3A_783 : vector<16xf32> to vector<1x16xf32>
        tpu.vector_store %arg10[%swap3A_784, %swap3A_785], %swap3A_788 {strides = array<i32>} : memref<128x128xf32, #tpu.memory_space<vmem>>, vector<1x16xf32>,
        %get3A_789 = arith.index_cast %add3A_768 : i32 to index
        %get3A_790 = arith.constant 32 : index
        %get3A_791 = tpu.vector_load %arg10[%get3A_789, %get3A_790] {strides = array<i32>} : memref<128x128xf32, #tpu.memory_space<vmem>>, vector<1x16xf32>,
        %get3A_792 = vector.shape_cast %get3A_791 : vector<1x16xf32> to vector<16xf32>
        %mul3A_793 = arith.mulf %get3A_792, %gather3A_764 : vector<16xf32>
        %swap3A_794 = arith.index_cast %add3A_768 : i32 to index
        %swap3A_795 = arith.constant 32 : index
        %swap3A_796 = tpu.vector_load %arg10[%swap3A_794, %swap3A_795] {strides = array<i32>} : memref<128x128xf32, #tpu.memory_space<vmem>>, vector<1x16xf32>,
        %swap3A_797 = vector.shape_cast %swap3A_796 : vector<1x16xf32> to vector<16xf32>
        %swap3A_798 = vector.shape_cast %mul3A_793 : vector<16xf32> to vector<1x16xf32>
        tpu.vector_store %arg10[%swap3A_794, %swap3A_795], %swap3A_798 {strides = array<i32>} : memref<128x128xf32, #tpu.memory_space<vmem>>, vector<1x16xf32>,
        %get3A_799 = arith.index_cast %add3A_768 : i32 to index
        %get3A_800 = arith.constant 48 : index
        %get3A_801 = tpu.vector_load %arg10[%get3A_799, %get3A_800] {strides = array<i32>} : memref<128x128xf32, #tpu.memory_space<vmem>>, vector<1x16xf32>,
        %get3A_802 = vector.shape_cast %get3A_801 : vector<1x16xf32> to vector<16xf32>
        %mul3A_803 = arith.mulf %get3A_802, %gather3A_764 : vector<16xf32>
        %swap3A_804 = arith.index_cast %add3A_768 : i32 to index
        %swap3A_805 = arith.constant 48 : index
        %swap3A_806 = tpu.vector_load %arg10[%swap3A_804, %swap3A_805] {strides = array<i32>} : memref<128x128xf32, #tpu.memory_space<vmem>>, vector<1x16xf32>,
        %swap3A_807 = vector.shape_cast %swap3A_806 : vector<1x16xf32> to vector<16xf32>
        %swap3A_808 = vector.shape_cast %mul3A_803 : vector<16xf32> to vector<1x16xf32>
        tpu.vector_store %arg10[%swap3A_804, %swap3A_805], %swap3A_808 {strides = array<i32>} : memref<128x128xf32, #tpu.memory_space<vmem>>, vector<1x16xf32>,
        %get3A_809 = arith.index_cast %add3A_768 : i32 to index
        %get3A_810 = arith.constant 64 : index
        %get3A_811 = tpu.vector_load %arg10[%get3A_809, %get3A_810] {strides = array<i32>} : memref<128x128xf32, #tpu.memory_space<vmem>>, vector<1x16xf32>,
        %get3A_812 = vector.shape_cast %get3A_811 : vector<1x16xf32> to vector<16xf32>
        %mul3A_813 = arith.mulf %get3A_812, %gather3A_764 : vector<16xf32>
        %swap3A_814 = arith.index_cast %add3A_768 : i32 to index
        %swap3A_815 = arith.constant 64 : index
        %swap3A_816 = tpu.vector_load %arg10[%swap3A_814, %swap3A_815] {strides = array<i32>} : memref<128x128xf32, #tpu.memory_space<vmem>>, vector<1x16xf32>,
        %swap3A_817 = vector.shape_cast %swap3A_816 : vector<1x16xf32> to vector<16xf32>
        %swap3A_818 = vector.shape_cast %mul3A_813 : vector<16xf32> to vector<1x16xf32>
        tpu.vector_store %arg10[%swap3A_814, %swap3A_815], %swap3A_818 {strides = array<i32>} : memref<128x128xf32, #tpu.memory_space<vmem>>, vector<1x16xf32>,
        %get3A_819 = arith.index_cast %add3A_768 : i32 to index
        %get3A_820 = arith.constant 80 : index
        %get3A_821 = tpu.vector_load %arg10[%get3A_819, %get3A_820] {strides = array<i32>} : memref<128x128xf32, #tpu.memory_space<vmem>>, vector<1x16xf32>,
        %get3A_822 = vector.shape_cast %get3A_821 : vector<1x16xf32> to vector<16xf32>
        %mul3A_823 = arith.mulf %get3A_822, %gather3A_764 : vector<16xf32>
        %swap3A_824 = arith.index_cast %add3A_768 : i32 to index
        %swap3A_825 = arith.constant 80 : index
        %swap3A_826 = tpu.vector_load %arg10[%swap3A_824, %swap3A_825] {strides = array<i32>} : memref<128x128xf32, #tpu.memory_space<vmem>>, vector<1x16xf32>,
        %swap3A_827 = vector.shape_cast %swap3A_826 : vector<1x16xf32> to vector<16xf32>
        %swap3A_828 = vector.shape_cast %mul3A_823 : vector<16xf32> to vector<1x16xf32>
        tpu.vector_store %arg10[%swap3A_824, %swap3A_825], %swap3A_828 {strides = array<i32>} : memref<128x128xf32, #tpu.memory_space<vmem>>, vector<1x16xf32>,
        %get3A_829 = arith.index_cast %add3A_768 : i32 to index
        %get3A_830 = arith.constant 96 : index
        %get3A_831 = tpu.vector_load %arg10[%get3A_829, %get3A_830] {strides = array<i32>} : memref<128x128xf32, #tpu.memory_space<vmem>>, vector<1x16xf32>,
        %get3A_832 = vector.shape_cast %get3A_831 : vector<1x16xf32> to vector<16xf32>
        %mul3A_833 = arith.mulf %get3A_832, %gather3A_764 : vector<16xf32>
        %swap3A_834 = arith.index_cast %add3A_768 : i32 to index
        %swap3A_835 = arith.constant 96 : index
        %swap3A_836 = tpu.vector_load %arg10[%swap3A_834, %swap3A_835] {strides = array<i32>} : memref<128x128xf32, #tpu.memory_space<vmem>>, vector<1x16xf32>,
        %swap3A_837 = vector.shape_cast %swap3A_836 : vector<1x16xf32> to vector<16xf32>
        %swap3A_838 = vector.shape_cast %mul3A_833 : vector<16xf32> to vector<1x16xf32>
        tpu.vector_store %arg10[%swap3A_834, %swap3A_835], %swap3A_838 {strides = array<i32>} : memref<128x128xf32, #tpu.memory_space<vmem>>, vector<1x16xf32>,
        %get3A_839 = arith.index_cast %add3A_768 : i32 to index
        %get3A_840 = arith.constant 112 : index
        %get3A_841 = tpu.vector_load %arg10[%get3A_839, %get3A_840] {strides = array<i32>} : memref<128x128xf32, #tpu.memory_space<vmem>>, vector<1x16xf32>,
        %get3A_842 = vector.shape_cast %get3A_841 : vector<1x16xf32> to vector<16xf32>
        %mul3A_843 = arith.mulf %get3A_842, %gather3A_764 : vector<16xf32>
        %swap3A_844 = arith.index_cast %add3A_768 : i32 to index
        %swap3A_845 = arith.constant 112 : index
        %swap3A_846 = tpu.vector_load %arg10[%swap3A_844, %swap3A_845] {strides = array<i32>} : memref<128x128xf32, #tpu.memory_space<vmem>>, vector<1x16xf32>,
        %swap3A_847 = vector.shape_cast %swap3A_846 : vector<1x16xf32> to vector<16xf32>
        %swap3A_848 = vector.shape_cast %mul3A_843 : vector<16xf32> to vector<1x16xf32>
        tpu.vector_store %arg10[%swap3A_844, %swap3A_845], %swap3A_848 {strides = array<i32>} : memref<128x128xf32, #tpu.memory_space<vmem>>, vector<1x16xf32>,
        %broadcast_in_dim3A_849 = arith.constant 9 : i32
        %broadcast_in_dim3A_850 = vector.broadcast %broadcast_in_dim3A_849 : i32 to vector<16x1xi32>
        %gather3A_851 = vector.shape_cast %broadcast_in_dim3A_850 : vector<16x1xi32> to vector<16xi32>
        %gather3A_852 = tpu.dynamic_gather %get3A_59[%gather3A_851] in [0] : vector<16xf32>, vector<16xi32> -> vector<16xf32>
        %mul3A_853 = arith.constant 16 : i32
        %mul3A_854 = arith.muli %scan3A_54, %mul3A_853 : i32
        %add3A_855 = arith.constant 9 : i32
        %add3A_856 = arith.addi %mul3A_854, %add3A_855 : i32
        %get3A_857 = arith.index_cast %add3A_856 : i32 to index
        %get3A_858 = arith.constant 0 : index
        %get3A_859 = tpu.vector_load %arg10[%get3A_857, %get3A_858] {strides = array<i32>} : memref<128x128xf32, #tpu.memory_space<vmem>>, vector<1x16xf32>,
        %get3A_860 = vector.shape_cast %get3A_859 : vector<1x16xf32> to vector<16xf32>
        %mul3A_861 = arith.mulf %get3A_860, %gather3A_852 : vector<16xf32>
        %swap3A_862 = arith.index_cast %add3A_856 : i32 to index
        %swap3A_863 = arith.constant 0 : index
        %swap3A_864 = tpu.vector_load %arg10[%swap3A_862, %swap3A_863] {strides = array<i32>} : memref<128x128xf32, #tpu.memory_space<vmem>>, vector<1x16xf32>,
        %swap3A_865 = vector.shape_cast %swap3A_864 : vector<1x16xf32> to vector<16xf32>
        %swap3A_866 = vector.shape_cast %mul3A_861 : vector<16xf32> to vector<1x16xf32>
        tpu.vector_store %arg10[%swap3A_862, %swap3A_863], %swap3A_866 {strides = array<i32>} : memref<128x128xf32, #tpu.memory_space<vmem>>, vector<1x16xf32>,
        %get3A_867 = arith.index_cast %add3A_856 : i32 to index
        %get3A_868 = arith.constant 16 : index
        %get3A_869 = tpu.vector_load %arg10[%get3A_867, %get3A_868] {strides = array<i32>} : memref<128x128xf32, #tpu.memory_space<vmem>>, vector<1x16xf32>,
        %get3A_870 = vector.shape_cast %get3A_869 : vector<1x16xf32> to vector<16xf32>
        %mul3A_871 = arith.mulf %get3A_870, %gather3A_852 : vector<16xf32>
        %swap3A_872 = arith.index_cast %add3A_856 : i32 to index
        %swap3A_873 = arith.constant 16 : index
        %swap3A_874 = tpu.vector_load %arg10[%swap3A_872, %swap3A_873] {strides = array<i32>} : memref<128x128xf32, #tpu.memory_space<vmem>>, vector<1x16xf32>,
        %swap3A_875 = vector.shape_cast %swap3A_874 : vector<1x16xf32> to vector<16xf32>
        %swap3A_876 = vector.shape_cast %mul3A_871 : vector<16xf32> to vector<1x16xf32>
        tpu.vector_store %arg10[%swap3A_872, %swap3A_873], %swap3A_876 {strides = array<i32>} : memref<128x128xf32, #tpu.memory_space<vmem>>, vector<1x16xf32>,
        %get3A_877 = arith.index_cast %add3A_856 : i32 to index
        %get3A_878 = arith.constant 32 : index
        %get3A_879 = tpu.vector_load %arg10[%get3A_877, %get3A_878] {strides = array<i32>} : memref<128x128xf32, #tpu.memory_space<vmem>>, vector<1x16xf32>,
        %get3A_880 = vector.shape_cast %get3A_879 : vector<1x16xf32> to vector<16xf32>
        %mul3A_881 = arith.mulf %get3A_880, %gather3A_852 : vector<16xf32>
        %swap3A_882 = arith.index_cast %add3A_856 : i32 to index
        %swap3A_883 = arith.constant 32 : index
        %swap3A_884 = tpu.vector_load %arg10[%swap3A_882, %swap3A_883] {strides = array<i32>} : memref<128x128xf32, #tpu.memory_space<vmem>>, vector<1x16xf32>,
        %swap3A_885 = vector.shape_cast %swap3A_884 : vector<1x16xf32> to vector<16xf32>
        %swap3A_886 = vector.shape_cast %mul3A_881 : vector<16xf32> to vector<1x16xf32>
        tpu.vector_store %arg10[%swap3A_882, %swap3A_883], %swap3A_886 {strides = array<i32>} : memref<128x128xf32, #tpu.memory_space<vmem>>, vector<1x16xf32>,
        %get3A_887 = arith.index_cast %add3A_856 : i32 to index
        %get3A_888 = arith.constant 48 : index
        %get3A_889 = tpu.vector_load %arg10[%get3A_887, %get3A_888] {strides = array<i32>} : memref<128x128xf32, #tpu.memory_space<vmem>>, vector<1x16xf32>,
        %get3A_890 = vector.shape_cast %get3A_889 : vector<1x16xf32> to vector<16xf32>
        %mul3A_891 = arith.mulf %get3A_890, %gather3A_852 : vector<16xf32>
        %swap3A_892 = arith.index_cast %add3A_856 : i32 to index
        %swap3A_893 = arith.constant 48 : index
        %swap3A_894 = tpu.vector_load %arg10[%swap3A_892, %swap3A_893] {strides = array<i32>} : memref<128x128xf32, #tpu.memory_space<vmem>>, vector<1x16xf32>,
        %swap3A_895 = vector.shape_cast %swap3A_894 : vector<1x16xf32> to vector<16xf32>
        %swap3A_896 = vector.shape_cast %mul3A_891 : vector<16xf32> to vector<1x16xf32>
        tpu.vector_store %arg10[%swap3A_892, %swap3A_893], %swap3A_896 {strides = array<i32>} : memref<128x128xf32, #tpu.memory_space<vmem>>, vector<1x16xf32>,
        %get3A_897 = arith.index_cast %add3A_856 : i32 to index
        %get3A_898 = arith.constant 64 : index
        %get3A_899 = tpu.vector_load %arg10[%get3A_897, %get3A_898] {strides = array<i32>} : memref<128x128xf32, #tpu.memory_space<vmem>>, vector<1x16xf32>,
        %get3A_900 = vector.shape_cast %get3A_899 : vector<1x16xf32> to vector<16xf32>
        %mul3A_901 = arith.mulf %get3A_900, %gather3A_852 : vector<16xf32>
        %swap3A_902 = arith.index_cast %add3A_856 : i32 to index
        %swap3A_903 = arith.constant 64 : index
        %swap3A_904 = tpu.vector_load %arg10[%swap3A_902, %swap3A_903] {strides = array<i32>} : memref<128x128xf32, #tpu.memory_space<vmem>>, vector<1x16xf32>,
        %swap3A_905 = vector.shape_cast %swap3A_904 : vector<1x16xf32> to vector<16xf32>
        %swap3A_906 = vector.shape_cast %mul3A_901 : vector<16xf32> to vector<1x16xf32>
        tpu.vector_store %arg10[%swap3A_902, %swap3A_903], %swap3A_906 {strides = array<i32>} : memref<128x128xf32, #tpu.memory_space<vmem>>, vector<1x16xf32>,
        %get3A_907 = arith.index_cast %add3A_856 : i32 to index
        %get3A_908 = arith.constant 80 : index
        %get3A_909 = tpu.vector_load %arg10[%get3A_907, %get3A_908] {strides = array<i32>} : memref<128x128xf32, #tpu.memory_space<vmem>>, vector<1x16xf32>,
        %get3A_910 = vector.shape_cast %get3A_909 : vector<1x16xf32> to vector<16xf32>
        %mul3A_911 = arith.mulf %get3A_910, %gather3A_852 : vector<16xf32>
        %swap3A_912 = arith.index_cast %add3A_856 : i32 to index
        %swap3A_913 = arith.constant 80 : index
        %swap3A_914 = tpu.vector_load %arg10[%swap3A_912, %swap3A_913] {strides = array<i32>} : memref<128x128xf32, #tpu.memory_space<vmem>>, vector<1x16xf32>,
        %swap3A_915 = vector.shape_cast %swap3A_914 : vector<1x16xf32> to vector<16xf32>
        %swap3A_916 = vector.shape_cast %mul3A_911 : vector<16xf32> to vector<1x16xf32>
        tpu.vector_store %arg10[%swap3A_912, %swap3A_913], %swap3A_916 {strides = array<i32>} : memref<128x128xf32, #tpu.memory_space<vmem>>, vector<1x16xf32>,
        %get3A_917 = arith.index_cast %add3A_856 : i32 to index
        %get3A_918 = arith.constant 96 : index
        %get3A_919 = tpu.vector_load %arg10[%get3A_917, %get3A_918] {strides = array<i32>} : memref<128x128xf32, #tpu.memory_space<vmem>>, vector<1x16xf32>,
        %get3A_920 = vector.shape_cast %get3A_919 : vector<1x16xf32> to vector<16xf32>
        %mul3A_921 = arith.mulf %get3A_920, %gather3A_852 : vector<16xf32>
        %swap3A_922 = arith.index_cast %add3A_856 : i32 to index
        %swap3A_923 = arith.constant 96 : index
        %swap3A_924 = tpu.vector_load %arg10[%swap3A_922, %swap3A_923] {strides = array<i32>} : memref<128x128xf32, #tpu.memory_space<vmem>>, vector<1x16xf32>,
        %swap3A_925 = vector.shape_cast %swap3A_924 : vector<1x16xf32> to vector<16xf32>
        %swap3A_926 = vector.shape_cast %mul3A_921 : vector<16xf32> to vector<1x16xf32>
        tpu.vector_store %arg10[%swap3A_922, %swap3A_923], %swap3A_926 {strides = array<i32>} : memref<128x128xf32, #tpu.memory_space<vmem>>, vector<1x16xf32>,
        %get3A_927 = arith.index_cast %add3A_856 : i32 to index
        %get3A_928 = arith.constant 112 : index
        %get3A_929 = tpu.vector_load %arg10[%get3A_927, %get3A_928] {strides = array<i32>} : memref<128x128xf32, #tpu.memory_space<vmem>>, vector<1x16xf32>,
        %get3A_930 = vector.shape_cast %get3A_929 : vector<1x16xf32> to vector<16xf32>
        %mul3A_931 = arith.mulf %get3A_930, %gather3A_852 : vector<16xf32>
        %swap3A_932 = arith.index_cast %add3A_856 : i32 to index
        %swap3A_933 = arith.constant 112 : index
        %swap3A_934 = tpu.vector_load %arg10[%swap3A_932, %swap3A_933] {strides = array<i32>} : memref<128x128xf32, #tpu.memory_space<vmem>>, vector<1x16xf32>,
        %swap3A_935 = vector.shape_cast %swap3A_934 : vector<1x16xf32> to vector<16xf32>
        %swap3A_936 = vector.shape_cast %mul3A_931 : vector<16xf32> to vector<1x16xf32>
        tpu.vector_store %arg10[%swap3A_932, %swap3A_933], %swap3A_936 {strides = array<i32>} : memref<128x128xf32, #tpu.memory_space<vmem>>, vector<1x16xf32>,
        %broadcast_in_dim3A_937 = arith.constant 10 : i32
        %broadcast_in_dim3A_938 = vector.broadcast %broadcast_in_dim3A_937 : i32 to vector<16x1xi32>
        %gather3A_939 = vector.shape_cast %broadcast_in_dim3A_938 : vector<16x1xi32> to vector<16xi32>
        %gather3A_940 = tpu.dynamic_gather %get3A_59[%gather3A_939] in [0] : vector<16xf32>, vector<16xi32> -> vector<16xf32>
        %mul3A_941 = arith.constant 16 : i32
        %mul3A_942 = arith.muli %scan3A_54, %mul3A_941 : i32
        %add3A_943 = arith.constant 10 : i32
        %add3A_944 = arith.addi %mul3A_942, %add3A_943 : i32
        %get3A_945 = arith.index_cast %add3A_944 : i32 to index
        %get3A_946 = arith.constant 0 : index
        %get3A_947 = tpu.vector_load %arg10[%get3A_945, %get3A_946] {strides = array<i32>} : memref<128x128xf32, #tpu.memory_space<vmem>>, vector<1x16xf32>,
        %get3A_948 = vector.shape_cast %get3A_947 : vector<1x16xf32> to vector<16xf32>
        %mul3A_949 = arith.mulf %get3A_948, %gather3A_940 : vector<16xf32>
        %swap3A_950 = arith.index_cast %add3A_944 : i32 to index
        %swap3A_951 = arith.constant 0 : index
        %swap3A_952 = tpu.vector_load %arg10[%swap3A_950, %swap3A_951] {strides = array<i32>} : memref<128x128xf32, #tpu.memory_space<vmem>>, vector<1x16xf32>,
        %swap3A_953 = vector.shape_cast %swap3A_952 : vector<1x16xf32> to vector<16xf32>
        %swap3A_954 = vector.shape_cast %mul3A_949 : vector<16xf32> to vector<1x16xf32>
        tpu.vector_store %arg10[%swap3A_950, %swap3A_951], %swap3A_954 {strides = array<i32>} : memref<128x128xf32, #tpu.memory_space<vmem>>, vector<1x16xf32>,
        %get3A_955 = arith.index_cast %add3A_944 : i32 to index
        %get3A_956 = arith.constant 16 : index
        %get3A_957 = tpu.vector_load %arg10[%get3A_955, %get3A_956] {strides = array<i32>} : memref<128x128xf32, #tpu.memory_space<vmem>>, vector<1x16xf32>,
        %get3A_958 = vector.shape_cast %get3A_957 : vector<1x16xf32> to vector<16xf32>
        %mul3A_959 = arith.mulf %get3A_958, %gather3A_940 : vector<16xf32>
        %swap3A_960 = arith.index_cast %add3A_944 : i32 to index
        %swap3A_961 = arith.constant 16 : index
        %swap3A_962 = tpu.vector_load %arg10[%swap3A_960, %swap3A_961] {strides = array<i32>} : memref<128x128xf32, #tpu.memory_space<vmem>>, vector<1x16xf32>,
        %swap3A_963 = vector.shape_cast %swap3A_962 : vector<1x16xf32> to vector<16xf32>
        %swap3A_964 = vector.shape_cast %mul3A_959 : vector<16xf32> to vector<1x16xf32>
        tpu.vector_store %arg10[%swap3A_960, %swap3A_961], %swap3A_964 {strides = array<i32>} : memref<128x128xf32, #tpu.memory_space<vmem>>, vector<1x16xf32>,
        %get3A_965 = arith.index_cast %add3A_944 : i32 to index
        %get3A_966 = arith.constant 32 : index
        %get3A_967 = tpu.vector_load %arg10[%get3A_965, %get3A_966] {strides = array<i32>} : memref<128x128xf32, #tpu.memory_space<vmem>>, vector<1x16xf32>,
        %get3A_968 = vector.shape_cast %get3A_967 : vector<1x16xf32> to vector<16xf32>
        %mul3A_969 = arith.mulf %get3A_968, %gather3A_940 : vector<16xf32>
        %swap3A_970 = arith.index_cast %add3A_944 : i32 to index
        %swap3A_971 = arith.constant 32 : index
        %swap3A_972 = tpu.vector_load %arg10[%swap3A_970, %swap3A_971] {strides = array<i32>} : memref<128x128xf32, #tpu.memory_space<vmem>>, vector<1x16xf32>,
        %swap3A_973 = vector.shape_cast %swap3A_972 : vector<1x16xf32> to vector<16xf32>
        %swap3A_974 = vector.shape_cast %mul3A_969 : vector<16xf32> to vector<1x16xf32>
        tpu.vector_store %arg10[%swap3A_970, %swap3A_971], %swap3A_974 {strides = array<i32>} : memref<128x128xf32, #tpu.memory_space<vmem>>, vector<1x16xf32>,
        %get3A_975 = arith.index_cast %add3A_944 : i32 to index
        %get3A_976 = arith.constant 48 : index
        %get3A_977 = tpu.vector_load %arg10[%get3A_975, %get3A_976] {strides = array<i32>} : memref<128x128xf32, #tpu.memory_space<vmem>>, vector<1x16xf32>,
        %get3A_978 = vector.shape_cast %get3A_977 : vector<1x16xf32> to vector<16xf32>
        %mul3A_979 = arith.mulf %get3A_978, %gather3A_940 : vector<16xf32>
        %swap3A_980 = arith.index_cast %add3A_944 : i32 to index
        %swap3A_981 = arith.constant 48 : index
        %swap3A_982 = tpu.vector_load %arg10[%swap3A_980, %swap3A_981] {strides = array<i32>} : memref<128x128xf32, #tpu.memory_space<vmem>>, vector<1x16xf32>,
        %swap3A_983 = vector.shape_cast %swap3A_982 : vector<1x16xf32> to vector<16xf32>
        %swap3A_984 = vector.shape_cast %mul3A_979 : vector<16xf32> to vector<1x16xf32>
        tpu.vector_store %arg10[%swap3A_980, %swap3A_981], %swap3A_984 {strides = array<i32>} : memref<128x128xf32, #tpu.memory_space<vmem>>, vector<1x16xf32>,
        %get3A_985 = arith.index_cast %add3A_944 : i32 to index
        %get3A_986 = arith.constant 64 : index
        %get3A_987 = tpu.vector_load %arg10[%get3A_985, %get3A_986] {strides = array<i32>} : memref<128x128xf32, #tpu.memory_space<vmem>>, vector<1x16xf32>,
        %get3A_988 = vector.shape_cast %get3A_987 : vector<1x16xf32> to vector<16xf32>
        %mul3A_989 = arith.mulf %get3A_988, %gather3A_940 : vector<16xf32>
        %swap3A_990 = arith.index_cast %add3A_944 : i32 to index
        %swap3A_991 = arith.constant 64 : index
        %swap3A_992 = tpu.vector_load %arg10[%swap3A_990, %swap3A_991] {strides = array<i32>} : memref<128x128xf32, #tpu.memory_space<vmem>>, vector<1x16xf32>,
        %swap3A_993 = vector.shape_cast %swap3A_992 : vector<1x16xf32> to vector<16xf32>
        %swap3A_994 = vector.shape_cast %mul3A_989 : vector<16xf32> to vector<1x16xf32>
        tpu.vector_store %arg10[%swap3A_990, %swap3A_991], %swap3A_994 {strides = array<i32>} : memref<128x128xf32, #tpu.memory_space<vmem>>, vector<1x16xf32>,
        %get3A_995 = arith.index_cast %add3A_944 : i32 to index
        %get3A_996 = arith.constant 80 : index
        %get3A_997 = tpu.vector_load %arg10[%get3A_995, %get3A_996] {strides = array<i32>} : memref<128x128xf32, #tpu.memory_space<vmem>>, vector<1x16xf32>,
        %get3A_998 = vector.shape_cast %get3A_997 : vector<1x16xf32> to vector<16xf32>
        %mul3A_999 = arith.mulf %get3A_998, %gather3A_940 : vector<16xf32>
        %swap3A_1000 = arith.index_cast %add3A_944 : i32 to index
        %swap3A_1001 = arith.constant 80 : index
        %swap3A_1002 = tpu.vector_load %arg10[%swap3A_1000, %swap3A_1001] {strides = array<i32>} : memref<128x128xf32, #tpu.memory_space<vmem>>, vector<1x16xf32>,
        %swap3A_1003 = vector.shape_cast %swap3A_1002 : vector<1x16xf32> to vector<16xf32>
        %swap3A_1004 = vector.shape_cast %mul3A_999 : vector<16xf32> to vector<1x16xf32>
        tpu.vector_store %arg10[%swap3A_1000, %swap3A_1001], %swap3A_1004 {strides = array<i32>} : memref<128x128xf32, #tpu.memory_space<vmem>>, vector<1x16xf32>,
        %get3A_1005 = arith.index_cast %add3A_944 : i32 to index
        %get3A_1006 = arith.constant 96 : index
        %get3A_1007 = tpu.vector_load %arg10[%get3A_1005, %get3A_1006] {strides = array<i32>} : memref<128x128xf32, #tpu.memory_space<vmem>>, vector<1x16xf32>,
        %get3A_1008 = vector.shape_cast %get3A_1007 : vector<1x16xf32> to vector<16xf32>
        %mul3A_1009 = arith.mulf %get3A_1008, %gather3A_940 : vector<16xf32>
        %swap3A_1010 = arith.index_cast %add3A_944 : i32 to index
        %swap3A_1011 = arith.constant 96 : index
        %swap3A_1012 = tpu.vector_load %arg10[%swap3A_1010, %swap3A_1011] {strides = array<i32>} : memref<128x128xf32, #tpu.memory_space<vmem>>, vector<1x16xf32>,
        %swap3A_1013 = vector.shape_cast %swap3A_1012 : vector<1x16xf32> to vector<16xf32>
        %swap3A_1014 = vector.shape_cast %mul3A_1009 : vector<16xf32> to vector<1x16xf32>
        tpu.vector_store %arg10[%swap3A_1010, %swap3A_1011], %swap3A_1014 {strides = array<i32>} : memref<128x128xf32, #tpu.memory_space<vmem>>, vector<1x16xf32>,
        %get3A_1015 = arith.index_cast %add3A_944 : i32 to index
        %get3A_1016 = arith.constant 112 : index
        %get3A_1017 = tpu.vector_load %arg10[%get3A_1015, %get3A_1016] {strides = array<i32>} : memref<128x128xf32, #tpu.memory_space<vmem>>, vector<1x16xf32>,
        %get3A_1018 = vector.shape_cast %get3A_1017 : vector<1x16xf32> to vector<16xf32>
        %mul3A_1019 = arith.mulf %get3A_1018, %gather3A_940 : vector<16xf32>
        %swap3A_1020 = arith.index_cast %add3A_944 : i32 to index
        %swap3A_1021 = arith.constant 112 : index
        %swap3A_1022 = tpu.vector_load %arg10[%swap3A_1020, %swap3A_1021] {strides = array<i32>} : memref<128x128xf32, #tpu.memory_space<vmem>>, vector<1x16xf32>,
        %swap3A_1023 = vector.shape_cast %swap3A_1022 : vector<1x16xf32> to vector<16xf32>
        %swap3A_1024 = vector.shape_cast %mul3A_1019 : vector<16xf32> to vector<1x16xf32>
        tpu.vector_store %arg10[%swap3A_1020, %swap3A_1021], %swap3A_1024 {strides = array<i32>} : memref<128x128xf32, #tpu.memory_space<vmem>>, vector<1x16xf32>,
        %broadcast_in_dim3A_1025 = arith.constant 11 : i32
        %broadcast_in_dim3A_1026 = vector.broadcast %broadcast_in_dim3A_1025 : i32 to vector<16x1xi32>
        %gather3A_1027 = vector.shape_cast %broadcast_in_dim3A_1026 : vector<16x1xi32> to vector<16xi32>
        %gather3A_1028 = tpu.dynamic_gather %get3A_59[%gather3A_1027] in [0] : vector<16xf32>, vector<16xi32> -> vector<16xf32>
        %mul3A_1029 = arith.constant 16 : i32
        %mul3A_1030 = arith.muli %scan3A_54, %mul3A_1029 : i32
        %add3A_1031 = arith.constant 11 : i32
        %add3A_1032 = arith.addi %mul3A_1030, %add3A_1031 : i32
        %get3A_1033 = arith.index_cast %add3A_1032 : i32 to index
        %get3A_1034 = arith.constant 0 : index
        %get3A_1035 = tpu.vector_load %arg10[%get3A_1033, %get3A_1034] {strides = array<i32>} : memref<128x128xf32, #tpu.memory_space<vmem>>, vector<1x16xf32>,
        %get3A_1036 = vector.shape_cast %get3A_1035 : vector<1x16xf32> to vector<16xf32>
        %mul3A_1037 = arith.mulf %get3A_1036, %gather3A_1028 : vector<16xf32>
        %swap3A_1038 = arith.index_cast %add3A_1032 : i32 to index
        %swap3A_1039 = arith.constant 0 : index
        %swap3A_1040 = tpu.vector_load %arg10[%swap3A_1038, %swap3A_1039] {strides = array<i32>} : memref<128x128xf32, #tpu.memory_space<vmem>>, vector<1x16xf32>,
        %swap3A_1041 = vector.shape_cast %swap3A_1040 : vector<1x16xf32> to vector<16xf32>
        %swap3A_1042 = vector.shape_cast %mul3A_1037 : vector<16xf32> to vector<1x16xf32>
        tpu.vector_store %arg10[%swap3A_1038, %swap3A_1039], %swap3A_1042 {strides = array<i32>} : memref<128x128xf32, #tpu.memory_space<vmem>>, vector<1x16xf32>,
        %get3A_1043 = arith.index_cast %add3A_1032 : i32 to index
        %get3A_1044 = arith.constant 16 : index
        %get3A_1045 = tpu.vector_load %arg10[%get3A_1043, %get3A_1044] {strides = array<i32>} : memref<128x128xf32, #tpu.memory_space<vmem>>, vector<1x16xf32>,
        %get3A_1046 = vector.shape_cast %get3A_1045 : vector<1x16xf32> to vector<16xf32>
        %mul3A_1047 = arith.mulf %get3A_1046, %gather3A_1028 : vector<16xf32>
        %swap3A_1048 = arith.index_cast %add3A_1032 : i32 to index
        %swap3A_1049 = arith.constant 16 : index
        %swap3A_1050 = tpu.vector_load %arg10[%swap3A_1048, %swap3A_1049] {strides = array<i32>} : memref<128x128xf32, #tpu.memory_space<vmem>>, vector<1x16xf32>,
        %swap3A_1051 = vector.shape_cast %swap3A_1050 : vector<1x16xf32> to vector<16xf32>
        %swap3A_1052 = vector.shape_cast %mul3A_1047 : vector<16xf32> to vector<1x16xf32>
        tpu.vector_store %arg10[%swap3A_1048, %swap3A_1049], %swap3A_1052 {strides = array<i32>} : memref<128x128xf32, #tpu.memory_space<vmem>>, vector<1x16xf32>,
        %get3A_1053 = arith.index_cast %add3A_1032 : i32 to index
        %get3A_1054 = arith.constant 32 : index
        %get3A_1055 = tpu.vector_load %arg10[%get3A_1053, %get3A_1054] {strides = array<i32>} : memref<128x128xf32, #tpu.memory_space<vmem>>, vector<1x16xf32>,
        %get3A_1056 = vector.shape_cast %get3A_1055 : vector<1x16xf32> to vector<16xf32>
        %mul3A_1057 = arith.mulf %get3A_1056, %gather3A_1028 : vector<16xf32>
        %swap3A_1058 = arith.index_cast %add3A_1032 : i32 to index
        %swap3A_1059 = arith.constant 32 : index
        %swap3A_1060 = tpu.vector_load %arg10[%swap3A_1058, %swap3A_1059] {strides = array<i32>} : memref<128x128xf32, #tpu.memory_space<vmem>>, vector<1x16xf32>,
        %swap3A_1061 = vector.shape_cast %swap3A_1060 : vector<1x16xf32> to vector<16xf32>
        %swap3A_1062 = vector.shape_cast %mul3A_1057 : vector<16xf32> to vector<1x16xf32>
        tpu.vector_store %arg10[%swap3A_1058, %swap3A_1059], %swap3A_1062 {strides = array<i32>} : memref<128x128xf32, #tpu.memory_space<vmem>>, vector<1x16xf32>,
        %get3A_1063 = arith.index_cast %add3A_1032 : i32 to index
        %get3A_1064 = arith.constant 48 : index
        %get3A_1065 = tpu.vector_load %arg10[%get3A_1063, %get3A_1064] {strides = array<i32>} : memref<128x128xf32, #tpu.memory_space<vmem>>, vector<1x16xf32>,
        %get3A_1066 = vector.shape_cast %get3A_1065 : vector<1x16xf32> to vector<16xf32>
        %mul3A_1067 = arith.mulf %get3A_1066, %gather3A_1028 : vector<16xf32>
        %swap3A_1068 = arith.index_cast %add3A_1032 : i32 to index
        %swap3A_1069 = arith.constant 48 : index
        %swap3A_1070 = tpu.vector_load %arg10[%swap3A_1068, %swap3A_1069] {strides = array<i32>} : memref<128x128xf32, #tpu.memory_space<vmem>>, vector<1x16xf32>,
        %swap3A_1071 = vector.shape_cast %swap3A_1070 : vector<1x16xf32> to vector<16xf32>
        %swap3A_1072 = vector.shape_cast %mul3A_1067 : vector<16xf32> to vector<1x16xf32>
        tpu.vector_store %arg10[%swap3A_1068, %swap3A_1069], %swap3A_1072 {strides = array<i32>} : memref<128x128xf32, #tpu.memory_space<vmem>>, vector<1x16xf32>,
        %get3A_1073 = arith.index_cast %add3A_1032 : i32 to index
        %get3A_1074 = arith.constant 64 : index
        %get3A_1075 = tpu.vector_load %arg10[%get3A_1073, %get3A_1074] {strides = array<i32>} : memref<128x128xf32, #tpu.memory_space<vmem>>, vector<1x16xf32>,
        %get3A_1076 = vector.shape_cast %get3A_1075 : vector<1x16xf32> to vector<16xf32>
        %mul3A_1077 = arith.mulf %get3A_1076, %gather3A_1028 : vector<16xf32>
        %swap3A_1078 = arith.index_cast %add3A_1032 : i32 to index
        %swap3A_1079 = arith.constant 64 : index
        %swap3A_1080 = tpu.vector_load %arg10[%swap3A_1078, %swap3A_1079] {strides = array<i32>} : memref<128x128xf32, #tpu.memory_space<vmem>>, vector<1x16xf32>,
        %swap3A_1081 = vector.shape_cast %swap3A_1080 : vector<1x16xf32> to vector<16xf32>
        %swap3A_1082 = vector.shape_cast %mul3A_1077 : vector<16xf32> to vector<1x16xf32>
        tpu.vector_store %arg10[%swap3A_1078, %swap3A_1079], %swap3A_1082 {strides = array<i32>} : memref<128x128xf32, #tpu.memory_space<vmem>>, vector<1x16xf32>,
        %get3A_1083 = arith.index_cast %add3A_1032 : i32 to index
        %get3A_1084 = arith.constant 80 : index
        %get3A_1085 = tpu.vector_load %arg10[%get3A_1083, %get3A_1084] {strides = array<i32>} : memref<128x128xf32, #tpu.memory_space<vmem>>, vector<1x16xf32>,
        %get3A_1086 = vector.shape_cast %get3A_1085 : vector<1x16xf32> to vector<16xf32>
        %mul3A_1087 = arith.mulf %get3A_1086, %gather3A_1028 : vector<16xf32>
        %swap3A_1088 = arith.index_cast %add3A_1032 : i32 to index
        %swap3A_1089 = arith.constant 80 : index
        %swap3A_1090 = tpu.vector_load %arg10[%swap3A_1088, %swap3A_1089] {strides = array<i32>} : memref<128x128xf32, #tpu.memory_space<vmem>>, vector<1x16xf32>,
        %swap3A_1091 = vector.shape_cast %swap3A_1090 : vector<1x16xf32> to vector<16xf32>
        %swap3A_1092 = vector.shape_cast %mul3A_1087 : vector<16xf32> to vector<1x16xf32>
        tpu.vector_store %arg10[%swap3A_1088, %swap3A_1089], %swap3A_1092 {strides = array<i32>} : memref<128x128xf32, #tpu.memory_space<vmem>>, vector<1x16xf32>,
        %get3A_1093 = arith.index_cast %add3A_1032 : i32 to index
        %get3A_1094 = arith.constant 96 : index
        %get3A_1095 = tpu.vector_load %arg10[%get3A_1093, %get3A_1094] {strides = array<i32>} : memref<128x128xf32, #tpu.memory_space<vmem>>, vector<1x16xf32>,
        %get3A_1096 = vector.shape_cast %get3A_1095 : vector<1x16xf32> to vector<16xf32>
        %mul3A_1097 = arith.mulf %get3A_1096, %gather3A_1028 : vector<16xf32>
        %swap3A_1098 = arith.index_cast %add3A_1032 : i32 to index
        %swap3A_1099 = arith.constant 96 : index
        %swap3A_1100 = tpu.vector_load %arg10[%swap3A_1098, %swap3A_1099] {strides = array<i32>} : memref<128x128xf32, #tpu.memory_space<vmem>>, vector<1x16xf32>,
        %swap3A_1101 = vector.shape_cast %swap3A_1100 : vector<1x16xf32> to vector<16xf32>
        %swap3A_1102 = vector.shape_cast %mul3A_1097 : vector<16xf32> to vector<1x16xf32>
        tpu.vector_store %arg10[%swap3A_1098, %swap3A_1099], %swap3A_1102 {strides = array<i32>} : memref<128x128xf32, #tpu.memory_space<vmem>>, vector<1x16xf32>,
        %get3A_1103 = arith.index_cast %add3A_1032 : i32 to index
        %get3A_1104 = arith.constant 112 : index
        %get3A_1105 = tpu.vector_load %arg10[%get3A_1103, %get3A_1104] {strides = array<i32>} : memref<128x128xf32, #tpu.memory_space<vmem>>, vector<1x16xf32>,
        %get3A_1106 = vector.shape_cast %get3A_1105 : vector<1x16xf32> to vector<16xf32>
        %mul3A_1107 = arith.mulf %get3A_1106, %gather3A_1028 : vector<16xf32>
        %swap3A_1108 = arith.index_cast %add3A_1032 : i32 to index
        %swap3A_1109 = arith.constant 112 : index
        %swap3A_1110 = tpu.vector_load %arg10[%swap3A_1108, %swap3A_1109] {strides = array<i32>} : memref<128x128xf32, #tpu.memory_space<vmem>>, vector<1x16xf32>,
        %swap3A_1111 = vector.shape_cast %swap3A_1110 : vector<1x16xf32> to vector<16xf32>
        %swap3A_1112 = vector.shape_cast %mul3A_1107 : vector<16xf32> to vector<1x16xf32>
        tpu.vector_store %arg10[%swap3A_1108, %swap3A_1109], %swap3A_1112 {strides = array<i32>} : memref<128x128xf32, #tpu.memory_space<vmem>>, vector<1x16xf32>,
        %broadcast_in_dim3A_1113 = arith.constant 12 : i32
        %broadcast_in_dim3A_1114 = vector.broadcast %broadcast_in_dim3A_1113 : i32 to vector<16x1xi32>
        %gather3A_1115 = vector.shape_cast %broadcast_in_dim3A_1114 : vector<16x1xi32> to vector<16xi32>
        %gather3A_1116 = tpu.dynamic_gather %get3A_59[%gather3A_1115] in [0] : vector<16xf32>, vector<16xi32> -> vector<16xf32>
        %mul3A_1117 = arith.constant 16 : i32
        %mul3A_1118 = arith.muli %scan3A_54, %mul3A_1117 : i32
        %add3A_1119 = arith.constant 12 : i32
        %add3A_1120 = arith.addi %mul3A_1118, %add3A_1119 : i32
        %get3A_1121 = arith.index_cast %add3A_1120 : i32 to index
        %get3A_1122 = arith.constant 0 : index
        %get3A_1123 = tpu.vector_load %arg10[%get3A_1121, %get3A_1122] {strides = array<i32>} : memref<128x128xf32, #tpu.memory_space<vmem>>, vector<1x16xf32>,
        %get3A_1124 = vector.shape_cast %get3A_1123 : vector<1x16xf32> to vector<16xf32>
        %mul3A_1125 = arith.mulf %get3A_1124, %gather3A_1116 : vector<16xf32>
        %swap3A_1126 = arith.index_cast %add3A_1120 : i32 to index
        %swap3A_1127 = arith.constant 0 : index
        %swap3A_1128 = tpu.vector_load %arg10[%swap3A_1126, %swap3A_1127] {strides = array<i32>} : memref<128x128xf32, #tpu.memory_space<vmem>>, vector<1x16xf32>,
        %swap3A_1129 = vector.shape_cast %swap3A_1128 : vector<1x16xf32> to vector<16xf32>
        %swap3A_1130 = vector.shape_cast %mul3A_1125 : vector<16xf32> to vector<1x16xf32>
        tpu.vector_store %arg10[%swap3A_1126, %swap3A_1127], %swap3A_1130 {strides = array<i32>} : memref<128x128xf32, #tpu.memory_space<vmem>>, vector<1x16xf32>,
        %get3A_1131 = arith.index_cast %add3A_1120 : i32 to index
        %get3A_1132 = arith.constant 16 : index
        %get3A_1133 = tpu.vector_load %arg10[%get3A_1131, %get3A_1132] {strides = array<i32>} : memref<128x128xf32, #tpu.memory_space<vmem>>, vector<1x16xf32>,
        %get3A_1134 = vector.shape_cast %get3A_1133 : vector<1x16xf32> to vector<16xf32>
        %mul3A_1135 = arith.mulf %get3A_1134, %gather3A_1116 : vector<16xf32>
        %swap3A_1136 = arith.index_cast %add3A_1120 : i32 to index
        %swap3A_1137 = arith.constant 16 : index
        %swap3A_1138 = tpu.vector_load %arg10[%swap3A_1136, %swap3A_1137] {strides = array<i32>} : memref<128x128xf32, #tpu.memory_space<vmem>>, vector<1x16xf32>,
        %swap3A_1139 = vector.shape_cast %swap3A_1138 : vector<1x16xf32> to vector<16xf32>
        %swap3A_1140 = vector.shape_cast %mul3A_1135 : vector<16xf32> to vector<1x16xf32>
        tpu.vector_store %arg10[%swap3A_1136, %swap3A_1137], %swap3A_1140 {strides = array<i32>} : memref<128x128xf32, #tpu.memory_space<vmem>>, vector<1x16xf32>,
        %get3A_1141 = arith.index_cast %add3A_1120 : i32 to index
        %get3A_1142 = arith.constant 32 : index
        %get3A_1143 = tpu.vector_load %arg10[%get3A_1141, %get3A_1142] {strides = array<i32>} : memref<128x128xf32, #tpu.memory_space<vmem>>, vector<1x16xf32>,
        %get3A_1144 = vector.shape_cast %get3A_1143 : vector<1x16xf32> to vector<16xf32>
        %mul3A_1145 = arith.mulf %get3A_1144, %gather3A_1116 : vector<16xf32>
        %swap3A_1146 = arith.index_cast %add3A_1120 : i32 to index
        %swap3A_1147 = arith.constant 32 : index
        %swap3A_1148 = tpu.vector_load %arg10[%swap3A_1146, %swap3A_1147] {strides = array<i32>} : memref<128x128xf32, #tpu.memory_space<vmem>>, vector<1x16xf32>,
        %swap3A_1149 = vector.shape_cast %swap3A_1148 : vector<1x16xf32> to vector<16xf32>
        %swap3A_1150 = vector.shape_cast %mul3A_1145 : vector<16xf32> to vector<1x16xf32>
        tpu.vector_store %arg10[%swap3A_1146, %swap3A_1147], %swap3A_1150 {strides = array<i32>} : memref<128x128xf32, #tpu.memory_space<vmem>>, vector<1x16xf32>,
        %get3A_1151 = arith.index_cast %add3A_1120 : i32 to index
        %get3A_1152 = arith.constant 48 : index
        %get3A_1153 = tpu.vector_load %arg10[%get3A_1151, %get3A_1152] {strides = array<i32>} : memref<128x128xf32, #tpu.memory_space<vmem>>, vector<1x16xf32>,
        %get3A_1154 = vector.shape_cast %get3A_1153 : vector<1x16xf32> to vector<16xf32>
        %mul3A_1155 = arith.mulf %get3A_1154, %gather3A_1116 : vector<16xf32>
        %swap3A_1156 = arith.index_cast %add3A_1120 : i32 to index
        %swap3A_1157 = arith.constant 48 : index
        %swap3A_1158 = tpu.vector_load %arg10[%swap3A_1156, %swap3A_1157] {strides = array<i32>} : memref<128x128xf32, #tpu.memory_space<vmem>>, vector<1x16xf32>,
        %swap3A_1159 = vector.shape_cast %swap3A_1158 : vector<1x16xf32> to vector<16xf32>
        %swap3A_1160 = vector.shape_cast %mul3A_1155 : vector<16xf32> to vector<1x16xf32>
        tpu.vector_store %arg10[%swap3A_1156, %swap3A_1157], %swap3A_1160 {strides = array<i32>} : memref<128x128xf32, #tpu.memory_space<vmem>>, vector<1x16xf32>,
        %get3A_1161 = arith.index_cast %add3A_1120 : i32 to index
        %get3A_1162 = arith.constant 64 : index
        %get3A_1163 = tpu.vector_load %arg10[%get3A_1161, %get3A_1162] {strides = array<i32>} : memref<128x128xf32, #tpu.memory_space<vmem>>, vector<1x16xf32>,
        %get3A_1164 = vector.shape_cast %get3A_1163 : vector<1x16xf32> to vector<16xf32>
        %mul3A_1165 = arith.mulf %get3A_1164, %gather3A_1116 : vector<16xf32>
        %swap3A_1166 = arith.index_cast %add3A_1120 : i32 to index
        %swap3A_1167 = arith.constant 64 : index
        %swap3A_1168 = tpu.vector_load %arg10[%swap3A_1166, %swap3A_1167] {strides = array<i32>} : memref<128x128xf32, #tpu.memory_space<vmem>>, vector<1x16xf32>,
        %swap3A_1169 = vector.shape_cast %swap3A_1168 : vector<1x16xf32> to vector<16xf32>
        %swap3A_1170 = vector.shape_cast %mul3A_1165 : vector<16xf32> to vector<1x16xf32>
        tpu.vector_store %arg10[%swap3A_1166, %swap3A_1167], %swap3A_1170 {strides = array<i32>} : memref<128x128xf32, #tpu.memory_space<vmem>>, vector<1x16xf32>,
        %get3A_1171 = arith.index_cast %add3A_1120 : i32 to index
        %get3A_1172 = arith.constant 80 : index
        %get3A_1173 = tpu.vector_load %arg10[%get3A_1171, %get3A_1172] {strides = array<i32>} : memref<128x128xf32, #tpu.memory_space<vmem>>, vector<1x16xf32>,
        %get3A_1174 = vector.shape_cast %get3A_1173 : vector<1x16xf32> to vector<16xf32>
        %mul3A_1175 = arith.mulf %get3A_1174, %gather3A_1116 : vector<16xf32>
        %swap3A_1176 = arith.index_cast %add3A_1120 : i32 to index
        %swap3A_1177 = arith.constant 80 : index
        %swap3A_1178 = tpu.vector_load %arg10[%swap3A_1176, %swap3A_1177] {strides = array<i32>} : memref<128x128xf32, #tpu.memory_space<vmem>>, vector<1x16xf32>,
        %swap3A_1179 = vector.shape_cast %swap3A_1178 : vector<1x16xf32> to vector<16xf32>
        %swap3A_1180 = vector.shape_cast %mul3A_1175 : vector<16xf32> to vector<1x16xf32>
        tpu.vector_store %arg10[%swap3A_1176, %swap3A_1177], %swap3A_1180 {strides = array<i32>} : memref<128x128xf32, #tpu.memory_space<vmem>>, vector<1x16xf32>,
        %get3A_1181 = arith.index_cast %add3A_1120 : i32 to index
        %get3A_1182 = arith.constant 96 : index
        %get3A_1183 = tpu.vector_load %arg10[%get3A_1181, %get3A_1182] {strides = array<i32>} : memref<128x128xf32, #tpu.memory_space<vmem>>, vector<1x16xf32>,
        %get3A_1184 = vector.shape_cast %get3A_1183 : vector<1x16xf32> to vector<16xf32>
        %mul3A_1185 = arith.mulf %get3A_1184, %gather3A_1116 : vector<16xf32>
        %swap3A_1186 = arith.index_cast %add3A_1120 : i32 to index
        %swap3A_1187 = arith.constant 96 : index
        %swap3A_1188 = tpu.vector_load %arg10[%swap3A_1186, %swap3A_1187] {strides = array<i32>} : memref<128x128xf32, #tpu.memory_space<vmem>>, vector<1x16xf32>,
        %swap3A_1189 = vector.shape_cast %swap3A_1188 : vector<1x16xf32> to vector<16xf32>
        %swap3A_1190 = vector.shape_cast %mul3A_1185 : vector<16xf32> to vector<1x16xf32>
        tpu.vector_store %arg10[%swap3A_1186, %swap3A_1187], %swap3A_1190 {strides = array<i32>} : memref<128x128xf32, #tpu.memory_space<vmem>>, vector<1x16xf32>,
        %get3A_1191 = arith.index_cast %add3A_1120 : i32 to index
        %get3A_1192 = arith.constant 112 : index
        %get3A_1193 = tpu.vector_load %arg10[%get3A_1191, %get3A_1192] {strides = array<i32>} : memref<128x128xf32, #tpu.memory_space<vmem>>, vector<1x16xf32>,
        %get3A_1194 = vector.shape_cast %get3A_1193 : vector<1x16xf32> to vector<16xf32>
        %mul3A_1195 = arith.mulf %get3A_1194, %gather3A_1116 : vector<16xf32>
        %swap3A_1196 = arith.index_cast %add3A_1120 : i32 to index
        %swap3A_1197 = arith.constant 112 : index
        %swap3A_1198 = tpu.vector_load %arg10[%swap3A_1196, %swap3A_1197] {strides = array<i32>} : memref<128x128xf32, #tpu.memory_space<vmem>>, vector<1x16xf32>,
        %swap3A_1199 = vector.shape_cast %swap3A_1198 : vector<1x16xf32> to vector<16xf32>
        %swap3A_1200 = vector.shape_cast %mul3A_1195 : vector<16xf32> to vector<1x16xf32>
        tpu.vector_store %arg10[%swap3A_1196, %swap3A_1197], %swap3A_1200 {strides = array<i32>} : memref<128x128xf32, #tpu.memory_space<vmem>>, vector<1x16xf32>,
        %broadcast_in_dim3A_1201 = arith.constant 13 : i32
        %broadcast_in_dim3A_1202 = vector.broadcast %broadcast_in_dim3A_1201 : i32 to vector<16x1xi32>
        %gather3A_1203 = vector.shape_cast %broadcast_in_dim3A_1202 : vector<16x1xi32> to vector<16xi32>
        %gather3A_1204 = tpu.dynamic_gather %get3A_59[%gather3A_1203] in [0] : vector<16xf32>, vector<16xi32> -> vector<16xf32>
        %mul3A_1205 = arith.constant 16 : i32
        %mul3A_1206 = arith.muli %scan3A_54, %mul3A_1205 : i32
        %add3A_1207 = arith.constant 13 : i32
        %add3A_1208 = arith.addi %mul3A_1206, %add3A_1207 : i32
        %get3A_1209 = arith.index_cast %add3A_1208 : i32 to index
        %get3A_1210 = arith.constant 0 : index
        %get3A_1211 = tpu.vector_load %arg10[%get3A_1209, %get3A_1210] {strides = array<i32>} : memref<128x128xf32, #tpu.memory_space<vmem>>, vector<1x16xf32>,
        %get3A_1212 = vector.shape_cast %get3A_1211 : vector<1x16xf32> to vector<16xf32>
        %mul3A_1213 = arith.mulf %get3A_1212, %gather3A_1204 : vector<16xf32>
        %swap3A_1214 = arith.index_cast %add3A_1208 : i32 to index
        %swap3A_1215 = arith.constant 0 : index
        %swap3A_1216 = tpu.vector_load %arg10[%swap3A_1214, %swap3A_1215] {strides = array<i32>} : memref<128x128xf32, #tpu.memory_space<vmem>>, vector<1x16xf32>,
        %swap3A_1217 = vector.shape_cast %swap3A_1216 : vector<1x16xf32> to vector<16xf32>
        %swap3A_1218 = vector.shape_cast %mul3A_1213 : vector<16xf32> to vector<1x16xf32>
        tpu.vector_store %arg10[%swap3A_1214, %swap3A_1215], %swap3A_1218 {strides = array<i32>} : memref<128x128xf32, #tpu.memory_space<vmem>>, vector<1x16xf32>,
        %get3A_1219 = arith.index_cast %add3A_1208 : i32 to index
        %get3A_1220 = arith.constant 16 : index
        %get3A_1221 = tpu.vector_load %arg10[%get3A_1219, %get3A_1220] {strides = array<i32>} : memref<128x128xf32, #tpu.memory_space<vmem>>, vector<1x16xf32>,
        %get3A_1222 = vector.shape_cast %get3A_1221 : vector<1x16xf32> to vector<16xf32>
        %mul3A_1223 = arith.mulf %get3A_1222, %gather3A_1204 : vector<16xf32>
        %swap3A_1224 = arith.index_cast %add3A_1208 : i32 to index
        %swap3A_1225 = arith.constant 16 : index
        %swap3A_1226 = tpu.vector_load %arg10[%swap3A_1224, %swap3A_1225] {strides = array<i32>} : memref<128x128xf32, #tpu.memory_space<vmem>>, vector<1x16xf32>,
        %swap3A_1227 = vector.shape_cast %swap3A_1226 : vector<1x16xf32> to vector<16xf32>
        %swap3A_1228 = vector.shape_cast %mul3A_1223 : vector<16xf32> to vector<1x16xf32>
        tpu.vector_store %arg10[%swap3A_1224, %swap3A_1225], %swap3A_1228 {strides = array<i32>} : memref<128x128xf32, #tpu.memory_space<vmem>>, vector<1x16xf32>,
        %get3A_1229 = arith.index_cast %add3A_1208 : i32 to index
        %get3A_1230 = arith.constant 32 : index
        %get3A_1231 = tpu.vector_load %arg10[%get3A_1229, %get3A_1230] {strides = array<i32>} : memref<128x128xf32, #tpu.memory_space<vmem>>, vector<1x16xf32>,
        %get3A_1232 = vector.shape_cast %get3A_1231 : vector<1x16xf32> to vector<16xf32>
        %mul3A_1233 = arith.mulf %get3A_1232, %gather3A_1204 : vector<16xf32>
        %swap3A_1234 = arith.index_cast %add3A_1208 : i32 to index
        %swap3A_1235 = arith.constant 32 : index
        %swap3A_1236 = tpu.vector_load %arg10[%swap3A_1234, %swap3A_1235] {strides = array<i32>} : memref<128x128xf32, #tpu.memory_space<vmem>>, vector<1x16xf32>,
        %swap3A_1237 = vector.shape_cast %swap3A_1236 : vector<1x16xf32> to vector<16xf32>
        %swap3A_1238 = vector.shape_cast %mul3A_1233 : vector<16xf32> to vector<1x16xf32>
        tpu.vector_store %arg10[%swap3A_1234, %swap3A_1235], %swap3A_1238 {strides = array<i32>} : memref<128x128xf32, #tpu.memory_space<vmem>>, vector<1x16xf32>,
        %get3A_1239 = arith.index_cast %add3A_1208 : i32 to index
        %get3A_1240 = arith.constant 48 : index
        %get3A_1241 = tpu.vector_load %arg10[%get3A_1239, %get3A_1240] {strides = array<i32>} : memref<128x128xf32, #tpu.memory_space<vmem>>, vector<1x16xf32>,
        %get3A_1242 = vector.shape_cast %get3A_1241 : vector<1x16xf32> to vector<16xf32>
        %mul3A_1243 = arith.mulf %get3A_1242, %gather3A_1204 : vector<16xf32>
        %swap3A_1244 = arith.index_cast %add3A_1208 : i32 to index
        %swap3A_1245 = arith.constant 48 : index
        %swap3A_1246 = tpu.vector_load %arg10[%swap3A_1244, %swap3A_1245] {strides = array<i32>} : memref<128x128xf32, #tpu.memory_space<vmem>>, vector<1x16xf32>,
        %swap3A_1247 = vector.shape_cast %swap3A_1246 : vector<1x16xf32> to vector<16xf32>
        %swap3A_1248 = vector.shape_cast %mul3A_1243 : vector<16xf32> to vector<1x16xf32>
        tpu.vector_store %arg10[%swap3A_1244, %swap3A_1245], %swap3A_1248 {strides = array<i32>} : memref<128x128xf32, #tpu.memory_space<vmem>>, vector<1x16xf32>,
        %get3A_1249 = arith.index_cast %add3A_1208 : i32 to index
        %get3A_1250 = arith.constant 64 : index
        %get3A_1251 = tpu.vector_load %arg10[%get3A_1249, %get3A_1250] {strides = array<i32>} : memref<128x128xf32, #tpu.memory_space<vmem>>, vector<1x16xf32>,
        %get3A_1252 = vector.shape_cast %get3A_1251 : vector<1x16xf32> to vector<16xf32>
        %mul3A_1253 = arith.mulf %get3A_1252, %gather3A_1204 : vector<16xf32>
        %swap3A_1254 = arith.index_cast %add3A_1208 : i32 to index
        %swap3A_1255 = arith.constant 64 : index
        %swap3A_1256 = tpu.vector_load %arg10[%swap3A_1254, %swap3A_1255] {strides = array<i32>} : memref<128x128xf32, #tpu.memory_space<vmem>>, vector<1x16xf32>,
        %swap3A_1257 = vector.shape_cast %swap3A_1256 : vector<1x16xf32> to vector<16xf32>
        %swap3A_1258 = vector.shape_cast %mul3A_1253 : vector<16xf32> to vector<1x16xf32>
        tpu.vector_store %arg10[%swap3A_1254, %swap3A_1255], %swap3A_1258 {strides = array<i32>} : memref<128x128xf32, #tpu.memory_space<vmem>>, vector<1x16xf32>,
        %get3A_1259 = arith.index_cast %add3A_1208 : i32 to index
        %get3A_1260 = arith.constant 80 : index
        %get3A_1261 = tpu.vector_load %arg10[%get3A_1259, %get3A_1260] {strides = array<i32>} : memref<128x128xf32, #tpu.memory_space<vmem>>, vector<1x16xf32>,
        %get3A_1262 = vector.shape_cast %get3A_1261 : vector<1x16xf32> to vector<16xf32>
        %mul3A_1263 = arith.mulf %get3A_1262, %gather3A_1204 : vector<16xf32>
        %swap3A_1264 = arith.index_cast %add3A_1208 : i32 to index
        %swap3A_1265 = arith.constant 80 : index
        %swap3A_1266 = tpu.vector_load %arg10[%swap3A_1264, %swap3A_1265] {strides = array<i32>} : memref<128x128xf32, #tpu.memory_space<vmem>>, vector<1x16xf32>,
        %swap3A_1267 = vector.shape_cast %swap3A_1266 : vector<1x16xf32> to vector<16xf32>
        %swap3A_1268 = vector.shape_cast %mul3A_1263 : vector<16xf32> to vector<1x16xf32>
        tpu.vector_store %arg10[%swap3A_1264, %swap3A_1265], %swap3A_1268 {strides = array<i32>} : memref<128x128xf32, #tpu.memory_space<vmem>>, vector<1x16xf32>,
        %get3A_1269 = arith.index_cast %add3A_1208 : i32 to index
        %get3A_1270 = arith.constant 96 : index
        %get3A_1271 = tpu.vector_load %arg10[%get3A_1269, %get3A_1270] {strides = array<i32>} : memref<128x128xf32, #tpu.memory_space<vmem>>, vector<1x16xf32>,
        %get3A_1272 = vector.shape_cast %get3A_1271 : vector<1x16xf32> to vector<16xf32>
        %mul3A_1273 = arith.mulf %get3A_1272, %gather3A_1204 : vector<16xf32>
        %swap3A_1274 = arith.index_cast %add3A_1208 : i32 to index
        %swap3A_1275 = arith.constant 96 : index
        %swap3A_1276 = tpu.vector_load %arg10[%swap3A_1274, %swap3A_1275] {strides = array<i32>} : memref<128x128xf32, #tpu.memory_space<vmem>>, vector<1x16xf32>,
        %swap3A_1277 = vector.shape_cast %swap3A_1276 : vector<1x16xf32> to vector<16xf32>
        %swap3A_1278 = vector.shape_cast %mul3A_1273 : vector<16xf32> to vector<1x16xf32>
        tpu.vector_store %arg10[%swap3A_1274, %swap3A_1275], %swap3A_1278 {strides = array<i32>} : memref<128x128xf32, #tpu.memory_space<vmem>>, vector<1x16xf32>,
        %get3A_1279 = arith.index_cast %add3A_1208 : i32 to index
        %get3A_1280 = arith.constant 112 : index
        %get3A_1281 = tpu.vector_load %arg10[%get3A_1279, %get3A_1280] {strides = array<i32>} : memref<128x128xf32, #tpu.memory_space<vmem>>, vector<1x16xf32>,
        %get3A_1282 = vector.shape_cast %get3A_1281 : vector<1x16xf32> to vector<16xf32>
        %mul3A_1283 = arith.mulf %get3A_1282, %gather3A_1204 : vector<16xf32>
        %swap3A_1284 = arith.index_cast %add3A_1208 : i32 to index
        %swap3A_1285 = arith.constant 112 : index
        %swap3A_1286 = tpu.vector_load %arg10[%swap3A_1284, %swap3A_1285] {strides = array<i32>} : memref<128x128xf32, #tpu.memory_space<vmem>>, vector<1x16xf32>,
        %swap3A_1287 = vector.shape_cast %swap3A_1286 : vector<1x16xf32> to vector<16xf32>
        %swap3A_1288 = vector.shape_cast %mul3A_1283 : vector<16xf32> to vector<1x16xf32>
        tpu.vector_store %arg10[%swap3A_1284, %swap3A_1285], %swap3A_1288 {strides = array<i32>} : memref<128x128xf32, #tpu.memory_space<vmem>>, vector<1x16xf32>,
        %broadcast_in_dim3A_1289 = arith.constant 14 : i32
        %broadcast_in_dim3A_1290 = vector.broadcast %broadcast_in_dim3A_1289 : i32 to vector<16x1xi32>
        %gather3A_1291 = vector.shape_cast %broadcast_in_dim3A_1290 : vector<16x1xi32> to vector<16xi32>
        %gather3A_1292 = tpu.dynamic_gather %get3A_59[%gather3A_1291] in [0] : vector<16xf32>, vector<16xi32> -> vector<16xf32>
        %mul3A_1293 = arith.constant 16 : i32
        %mul3A_1294 = arith.muli %scan3A_54, %mul3A_1293 : i32
        %add3A_1295 = arith.constant 14 : i32
        %add3A_1296 = arith.addi %mul3A_1294, %add3A_1295 : i32
        %get3A_1297 = arith.index_cast %add3A_1296 : i32 to index
        %get3A_1298 = arith.constant 0 : index
        %get3A_1299 = tpu.vector_load %arg10[%get3A_1297, %get3A_1298] {strides = array<i32>} : memref<128x128xf32, #tpu.memory_space<vmem>>, vector<1x16xf32>,
        %get3A_1300 = vector.shape_cast %get3A_1299 : vector<1x16xf32> to vector<16xf32>
        %mul3A_1301 = arith.mulf %get3A_1300, %gather3A_1292 : vector<16xf32>
        %swap3A_1302 = arith.index_cast %add3A_1296 : i32 to index
        %swap3A_1303 = arith.constant 0 : index
        %swap3A_1304 = tpu.vector_load %arg10[%swap3A_1302, %swap3A_1303] {strides = array<i32>} : memref<128x128xf32, #tpu.memory_space<vmem>>, vector<1x16xf32>,
        %swap3A_1305 = vector.shape_cast %swap3A_1304 : vector<1x16xf32> to vector<16xf32>
        %swap3A_1306 = vector.shape_cast %mul3A_1301 : vector<16xf32> to vector<1x16xf32>
        tpu.vector_store %arg10[%swap3A_1302, %swap3A_1303], %swap3A_1306 {strides = array<i32>} : memref<128x128xf32, #tpu.memory_space<vmem>>, vector<1x16xf32>,
        %get3A_1307 = arith.index_cast %add3A_1296 : i32 to index
        %get3A_1308 = arith.constant 16 : index
        %get3A_1309 = tpu.vector_load %arg10[%get3A_1307, %get3A_1308] {strides = array<i32>} : memref<128x128xf32, #tpu.memory_space<vmem>>, vector<1x16xf32>,
        %get3A_1310 = vector.shape_cast %get3A_1309 : vector<1x16xf32> to vector<16xf32>
        %mul3A_1311 = arith.mulf %get3A_1310, %gather3A_1292 : vector<16xf32>
        %swap3A_1312 = arith.index_cast %add3A_1296 : i32 to index
        %swap3A_1313 = arith.constant 16 : index
        %swap3A_1314 = tpu.vector_load %arg10[%swap3A_1312, %swap3A_1313] {strides = array<i32>} : memref<128x128xf32, #tpu.memory_space<vmem>>, vector<1x16xf32>,
        %swap3A_1315 = vector.shape_cast %swap3A_1314 : vector<1x16xf32> to vector<16xf32>
        %swap3A_1316 = vector.shape_cast %mul3A_1311 : vector<16xf32> to vector<1x16xf32>
        tpu.vector_store %arg10[%swap3A_1312, %swap3A_1313], %swap3A_1316 {strides = array<i32>} : memref<128x128xf32, #tpu.memory_space<vmem>>, vector<1x16xf32>,
        %get3A_1317 = arith.index_cast %add3A_1296 : i32 to index
        %get3A_1318 = arith.constant 32 : index
        %get3A_1319 = tpu.vector_load %arg10[%get3A_1317, %get3A_1318] {strides = array<i32>} : memref<128x128xf32, #tpu.memory_space<vmem>>, vector<1x16xf32>,
        %get3A_1320 = vector.shape_cast %get3A_1319 : vector<1x16xf32> to vector<16xf32>
        %mul3A_1321 = arith.mulf %get3A_1320, %gather3A_1292 : vector<16xf32>
        %swap3A_1322 = arith.index_cast %add3A_1296 : i32 to index
        %swap3A_1323 = arith.constant 32 : index
        %swap3A_1324 = tpu.vector_load %arg10[%swap3A_1322, %swap3A_1323] {strides = array<i32>} : memref<128x128xf32, #tpu.memory_space<vmem>>, vector<1x16xf32>,
        %swap3A_1325 = vector.shape_cast %swap3A_1324 : vector<1x16xf32> to vector<16xf32>
        %swap3A_1326 = vector.shape_cast %mul3A_1321 : vector<16xf32> to vector<1x16xf32>
        tpu.vector_store %arg10[%swap3A_1322, %swap3A_1323], %swap3A_1326 {strides = array<i32>} : memref<128x128xf32, #tpu.memory_space<vmem>>, vector<1x16xf32>,
        %get3A_1327 = arith.index_cast %add3A_1296 : i32 to index
        %get3A_1328 = arith.constant 48 : index
        %get3A_1329 = tpu.vector_load %arg10[%get3A_1327, %get3A_1328] {strides = array<i32>} : memref<128x128xf32, #tpu.memory_space<vmem>>, vector<1x16xf32>,
        %get3A_1330 = vector.shape_cast %get3A_1329 : vector<1x16xf32> to vector<16xf32>
        %mul3A_1331 = arith.mulf %get3A_1330, %gather3A_1292 : vector<16xf32>
        %swap3A_1332 = arith.index_cast %add3A_1296 : i32 to index
        %swap3A_1333 = arith.constant 48 : index
        %swap3A_1334 = tpu.vector_load %arg10[%swap3A_1332, %swap3A_1333] {strides = array<i32>} : memref<128x128xf32, #tpu.memory_space<vmem>>, vector<1x16xf32>,
        %swap3A_1335 = vector.shape_cast %swap3A_1334 : vector<1x16xf32> to vector<16xf32>
        %swap3A_1336 = vector.shape_cast %mul3A_1331 : vector<16xf32> to vector<1x16xf32>
        tpu.vector_store %arg10[%swap3A_1332, %swap3A_1333], %swap3A_1336 {strides = array<i32>} : memref<128x128xf32, #tpu.memory_space<vmem>>, vector<1x16xf32>,
        %get3A_1337 = arith.index_cast %add3A_1296 : i32 to index
        %get3A_1338 = arith.constant 64 : index
        %get3A_1339 = tpu.vector_load %arg10[%get3A_1337, %get3A_1338] {strides = array<i32>} : memref<128x128xf32, #tpu.memory_space<vmem>>, vector<1x16xf32>,
        %get3A_1340 = vector.shape_cast %get3A_1339 : vector<1x16xf32> to vector<16xf32>
        %mul3A_1341 = arith.mulf %get3A_1340, %gather3A_1292 : vector<16xf32>
        %swap3A_1342 = arith.index_cast %add3A_1296 : i32 to index
        %swap3A_1343 = arith.constant 64 : index
        %swap3A_1344 = tpu.vector_load %arg10[%swap3A_1342, %swap3A_1343] {strides = array<i32>} : memref<128x128xf32, #tpu.memory_space<vmem>>, vector<1x16xf32>,
        %swap3A_1345 = vector.shape_cast %swap3A_1344 : vector<1x16xf32> to vector<16xf32>
        %swap3A_1346 = vector.shape_cast %mul3A_1341 : vector<16xf32> to vector<1x16xf32>
        tpu.vector_store %arg10[%swap3A_1342, %swap3A_1343], %swap3A_1346 {strides = array<i32>} : memref<128x128xf32, #tpu.memory_space<vmem>>, vector<1x16xf32>,
        %get3A_1347 = arith.index_cast %add3A_1296 : i32 to index
        %get3A_1348 = arith.constant 80 : index
        %get3A_1349 = tpu.vector_load %arg10[%get3A_1347, %get3A_1348] {strides = array<i32>} : memref<128x128xf32, #tpu.memory_space<vmem>>, vector<1x16xf32>,
        %get3A_1350 = vector.shape_cast %get3A_1349 : vector<1x16xf32> to vector<16xf32>
        %mul3A_1351 = arith.mulf %get3A_1350, %gather3A_1292 : vector<16xf32>
        %swap3A_1352 = arith.index_cast %add3A_1296 : i32 to index
        %swap3A_1353 = arith.constant 80 : index
        %swap3A_1354 = tpu.vector_load %arg10[%swap3A_1352, %swap3A_1353] {strides = array<i32>} : memref<128x128xf32, #tpu.memory_space<vmem>>, vector<1x16xf32>,
        %swap3A_1355 = vector.shape_cast %swap3A_1354 : vector<1x16xf32> to vector<16xf32>
        %swap3A_1356 = vector.shape_cast %mul3A_1351 : vector<16xf32> to vector<1x16xf32>
        tpu.vector_store %arg10[%swap3A_1352, %swap3A_1353], %swap3A_1356 {strides = array<i32>} : memref<128x128xf32, #tpu.memory_space<vmem>>, vector<1x16xf32>,
        %get3A_1357 = arith.index_cast %add3A_1296 : i32 to index
        %get3A_1358 = arith.constant 96 : index
        %get3A_1359 = tpu.vector_load %arg10[%get3A_1357, %get3A_1358] {strides = array<i32>} : memref<128x128xf32, #tpu.memory_space<vmem>>, vector<1x16xf32>,
        %get3A_1360 = vector.shape_cast %get3A_1359 : vector<1x16xf32> to vector<16xf32>
        %mul3A_1361 = arith.mulf %get3A_1360, %gather3A_1292 : vector<16xf32>
        %swap3A_1362 = arith.index_cast %add3A_1296 : i32 to index
        %swap3A_1363 = arith.constant 96 : index
        %swap3A_1364 = tpu.vector_load %arg10[%swap3A_1362, %swap3A_1363] {strides = array<i32>} : memref<128x128xf32, #tpu.memory_space<vmem>>, vector<1x16xf32>,
        %swap3A_1365 = vector.shape_cast %swap3A_1364 : vector<1x16xf32> to vector<16xf32>
        %swap3A_1366 = vector.shape_cast %mul3A_1361 : vector<16xf32> to vector<1x16xf32>
        tpu.vector_store %arg10[%swap3A_1362, %swap3A_1363], %swap3A_1366 {strides = array<i32>} : memref<128x128xf32, #tpu.memory_space<vmem>>, vector<1x16xf32>,
        %get3A_1367 = arith.index_cast %add3A_1296 : i32 to index
        %get3A_1368 = arith.constant 112 : index
        %get3A_1369 = tpu.vector_load %arg10[%get3A_1367, %get3A_1368] {strides = array<i32>} : memref<128x128xf32, #tpu.memory_space<vmem>>, vector<1x16xf32>,
        %get3A_1370 = vector.shape_cast %get3A_1369 : vector<1x16xf32> to vector<16xf32>
        %mul3A_1371 = arith.mulf %get3A_1370, %gather3A_1292 : vector<16xf32>
        %swap3A_1372 = arith.index_cast %add3A_1296 : i32 to index
        %swap3A_1373 = arith.constant 112 : index
        %swap3A_1374 = tpu.vector_load %arg10[%swap3A_1372, %swap3A_1373] {strides = array<i32>} : memref<128x128xf32, #tpu.memory_space<vmem>>, vector<1x16xf32>,
        %swap3A_1375 = vector.shape_cast %swap3A_1374 : vector<1x16xf32> to vector<16xf32>
        %swap3A_1376 = vector.shape_cast %mul3A_1371 : vector<16xf32> to vector<1x16xf32>
        tpu.vector_store %arg10[%swap3A_1372, %swap3A_1373], %swap3A_1376 {strides = array<i32>} : memref<128x128xf32, #tpu.memory_space<vmem>>, vector<1x16xf32>,
        %broadcast_in_dim3A_1377 = arith.constant 15 : i32
        %broadcast_in_dim3A_1378 = vector.broadcast %broadcast_in_dim3A_1377 : i32 to vector<16x1xi32>
        %gather3A_1379 = vector.shape_cast %broadcast_in_dim3A_1378 : vector<16x1xi32> to vector<16xi32>
        %gather3A_1380 = tpu.dynamic_gather %get3A_59[%gather3A_1379] in [0] : vector<16xf32>, vector<16xi32> -> vector<16xf32>
        %mul3A_1381 = arith.constant 16 : i32
        %mul3A_1382 = arith.muli %scan3A_54, %mul3A_1381 : i32
        %add3A_1383 = arith.constant 15 : i32
        %add3A_1384 = arith.addi %mul3A_1382, %add3A_1383 : i32
        %get3A_1385 = arith.index_cast %add3A_1384 : i32 to index
        %get3A_1386 = arith.constant 0 : index
        %get3A_1387 = tpu.vector_load %arg10[%get3A_1385, %get3A_1386] {strides = array<i32>} : memref<128x128xf32, #tpu.memory_space<vmem>>, vector<1x16xf32>,
        %get3A_1388 = vector.shape_cast %get3A_1387 : vector<1x16xf32> to vector<16xf32>
        %mul3A_1389 = arith.mulf %get3A_1388, %gather3A_1380 : vector<16xf32>
        %swap3A_1390 = arith.index_cast %add3A_1384 : i32 to index
        %swap3A_1391 = arith.constant 0 : index
        %swap3A_1392 = tpu.vector_load %arg10[%swap3A_1390, %swap3A_1391] {strides = array<i32>} : memref<128x128xf32, #tpu.memory_space<vmem>>, vector<1x16xf32>,
        %swap3A_1393 = vector.shape_cast %swap3A_1392 : vector<1x16xf32> to vector<16xf32>
        %swap3A_1394 = vector.shape_cast %mul3A_1389 : vector<16xf32> to vector<1x16xf32>
        tpu.vector_store %arg10[%swap3A_1390, %swap3A_1391], %swap3A_1394 {strides = array<i32>} : memref<128x128xf32, #tpu.memory_space<vmem>>, vector<1x16xf32>,
        %get3A_1395 = arith.index_cast %add3A_1384 : i32 to index
        %get3A_1396 = arith.constant 16 : index
        %get3A_1397 = tpu.vector_load %arg10[%get3A_1395, %get3A_1396] {strides = array<i32>} : memref<128x128xf32, #tpu.memory_space<vmem>>, vector<1x16xf32>,
        %get3A_1398 = vector.shape_cast %get3A_1397 : vector<1x16xf32> to vector<16xf32>
        %mul3A_1399 = arith.mulf %get3A_1398, %gather3A_1380 : vector<16xf32>
        %swap3A_1400 = arith.index_cast %add3A_1384 : i32 to index
        %swap3A_1401 = arith.constant 16 : index
        %swap3A_1402 = tpu.vector_load %arg10[%swap3A_1400, %swap3A_1401] {strides = array<i32>} : memref<128x128xf32, #tpu.memory_space<vmem>>, vector<1x16xf32>,
        %swap3A_1403 = vector.shape_cast %swap3A_1402 : vector<1x16xf32> to vector<16xf32>
        %swap3A_1404 = vector.shape_cast %mul3A_1399 : vector<16xf32> to vector<1x16xf32>
        tpu.vector_store %arg10[%swap3A_1400, %swap3A_1401], %swap3A_1404 {strides = array<i32>} : memref<128x128xf32, #tpu.memory_space<vmem>>, vector<1x16xf32>,
        %get3A_1405 = arith.index_cast %add3A_1384 : i32 to index
        %get3A_1406 = arith.constant 32 : index
        %get3A_1407 = tpu.vector_load %arg10[%get3A_1405, %get3A_1406] {strides = array<i32>} : memref<128x128xf32, #tpu.memory_space<vmem>>, vector<1x16xf32>,
        %get3A_1408 = vector.shape_cast %get3A_1407 : vector<1x16xf32> to vector<16xf32>
        %mul3A_1409 = arith.mulf %get3A_1408, %gather3A_1380 : vector<16xf32>
        %swap3A_1410 = arith.index_cast %add3A_1384 : i32 to index
        %swap3A_1411 = arith.constant 32 : index
        %swap3A_1412 = tpu.vector_load %arg10[%swap3A_1410, %swap3A_1411] {strides = array<i32>} : memref<128x128xf32, #tpu.memory_space<vmem>>, vector<1x16xf32>,
        %swap3A_1413 = vector.shape_cast %swap3A_1412 : vector<1x16xf32> to vector<16xf32>
        %swap3A_1414 = vector.shape_cast %mul3A_1409 : vector<16xf32> to vector<1x16xf32>
        tpu.vector_store %arg10[%swap3A_1410, %swap3A_1411], %swap3A_1414 {strides = array<i32>} : memref<128x128xf32, #tpu.memory_space<vmem>>, vector<1x16xf32>,
        %get3A_1415 = arith.index_cast %add3A_1384 : i32 to index
        %get3A_1416 = arith.constant 48 : index
        %get3A_1417 = tpu.vector_load %arg10[%get3A_1415, %get3A_1416] {strides = array<i32>} : memref<128x128xf32, #tpu.memory_space<vmem>>, vector<1x16xf32>,
        %get3A_1418 = vector.shape_cast %get3A_1417 : vector<1x16xf32> to vector<16xf32>
        %mul3A_1419 = arith.mulf %get3A_1418, %gather3A_1380 : vector<16xf32>
        %swap3A_1420 = arith.index_cast %add3A_1384 : i32 to index
        %swap3A_1421 = arith.constant 48 : index
        %swap3A_1422 = tpu.vector_load %arg10[%swap3A_1420, %swap3A_1421] {strides = array<i32>} : memref<128x128xf32, #tpu.memory_space<vmem>>, vector<1x16xf32>,
        %swap3A_1423 = vector.shape_cast %swap3A_1422 : vector<1x16xf32> to vector<16xf32>
        %swap3A_1424 = vector.shape_cast %mul3A_1419 : vector<16xf32> to vector<1x16xf32>
        tpu.vector_store %arg10[%swap3A_1420, %swap3A_1421], %swap3A_1424 {strides = array<i32>} : memref<128x128xf32, #tpu.memory_space<vmem>>, vector<1x16xf32>,
        %get3A_1425 = arith.index_cast %add3A_1384 : i32 to index
        %get3A_1426 = arith.constant 64 : index
        %get3A_1427 = tpu.vector_load %arg10[%get3A_1425, %get3A_1426] {strides = array<i32>} : memref<128x128xf32, #tpu.memory_space<vmem>>, vector<1x16xf32>,
        %get3A_1428 = vector.shape_cast %get3A_1427 : vector<1x16xf32> to vector<16xf32>
        %mul3A_1429 = arith.mulf %get3A_1428, %gather3A_1380 : vector<16xf32>
        %swap3A_1430 = arith.index_cast %add3A_1384 : i32 to index
        %swap3A_1431 = arith.constant 64 : index
        %swap3A_1432 = tpu.vector_load %arg10[%swap3A_1430, %swap3A_1431] {strides = array<i32>} : memref<128x128xf32, #tpu.memory_space<vmem>>, vector<1x16xf32>,
        %swap3A_1433 = vector.shape_cast %swap3A_1432 : vector<1x16xf32> to vector<16xf32>
        %swap3A_1434 = vector.shape_cast %mul3A_1429 : vector<16xf32> to vector<1x16xf32>
        tpu.vector_store %arg10[%swap3A_1430, %swap3A_1431], %swap3A_1434 {strides = array<i32>} : memref<128x128xf32, #tpu.memory_space<vmem>>, vector<1x16xf32>,
        %get3A_1435 = arith.index_cast %add3A_1384 : i32 to index
        %get3A_1436 = arith.constant 80 : index
        %get3A_1437 = tpu.vector_load %arg10[%get3A_1435, %get3A_1436] {strides = array<i32>} : memref<128x128xf32, #tpu.memory_space<vmem>>, vector<1x16xf32>,
        %get3A_1438 = vector.shape_cast %get3A_1437 : vector<1x16xf32> to vector<16xf32>
        %mul3A_1439 = arith.mulf %get3A_1438, %gather3A_1380 : vector<16xf32>
        %swap3A_1440 = arith.index_cast %add3A_1384 : i32 to index
        %swap3A_1441 = arith.constant 80 : index
        %swap3A_1442 = tpu.vector_load %arg10[%swap3A_1440, %swap3A_1441] {strides = array<i32>} : memref<128x128xf32, #tpu.memory_space<vmem>>, vector<1x16xf32>,
        %swap3A_1443 = vector.shape_cast %swap3A_1442 : vector<1x16xf32> to vector<16xf32>
        %swap3A_1444 = vector.shape_cast %mul3A_1439 : vector<16xf32> to vector<1x16xf32>
        tpu.vector_store %arg10[%swap3A_1440, %swap3A_1441], %swap3A_1444 {strides = array<i32>} : memref<128x128xf32, #tpu.memory_space<vmem>>, vector<1x16xf32>,
        %get3A_1445 = arith.index_cast %add3A_1384 : i32 to index
        %get3A_1446 = arith.constant 96 : index
        %get3A_1447 = tpu.vector_load %arg10[%get3A_1445, %get3A_1446] {strides = array<i32>} : memref<128x128xf32, #tpu.memory_space<vmem>>, vector<1x16xf32>,
        %get3A_1448 = vector.shape_cast %get3A_1447 : vector<1x16xf32> to vector<16xf32>
        %mul3A_1449 = arith.mulf %get3A_1448, %gather3A_1380 : vector<16xf32>
        %swap3A_1450 = arith.index_cast %add3A_1384 : i32 to index
        %swap3A_1451 = arith.constant 96 : index
        %swap3A_1452 = tpu.vector_load %arg10[%swap3A_1450, %swap3A_1451] {strides = array<i32>} : memref<128x128xf32, #tpu.memory_space<vmem>>, vector<1x16xf32>,
        %swap3A_1453 = vector.shape_cast %swap3A_1452 : vector<1x16xf32> to vector<16xf32>
        %swap3A_1454 = vector.shape_cast %mul3A_1449 : vector<16xf32> to vector<1x16xf32>
        tpu.vector_store %arg10[%swap3A_1450, %swap3A_1451], %swap3A_1454 {strides = array<i32>} : memref<128x128xf32, #tpu.memory_space<vmem>>, vector<1x16xf32>,
        %get3A_1455 = arith.index_cast %add3A_1384 : i32 to index
        %get3A_1456 = arith.constant 112 : index
        %get3A_1457 = tpu.vector_load %arg10[%get3A_1455, %get3A_1456] {strides = array<i32>} : memref<128x128xf32, #tpu.memory_space<vmem>>, vector<1x16xf32>,
        %get3A_1458 = vector.shape_cast %get3A_1457 : vector<1x16xf32> to vector<16xf32>
        %mul3A_1459 = arith.mulf %get3A_1458, %gather3A_1380 : vector<16xf32>
        %swap3A_1460 = arith.index_cast %add3A_1384 : i32 to index
        %swap3A_1461 = arith.constant 112 : index
        %swap3A_1462 = tpu.vector_load %arg10[%swap3A_1460, %swap3A_1461] {strides = array<i32>} : memref<128x128xf32, #tpu.memory_space<vmem>>, vector<1x16xf32>,
        %swap3A_1463 = vector.shape_cast %swap3A_1462 : vector<1x16xf32> to vector<16xf32>
        %swap3A_1464 = vector.shape_cast %mul3A_1459 : vector<16xf32> to vector<1x16xf32>
        tpu.vector_store %arg10[%swap3A_1460, %swap3A_1461], %swap3A_1464 {strides = array<i32>} : memref<128x128xf32, #tpu.memory_space<vmem>>, vector<1x16xf32>,
      }
      %scan3A_53 = arith.constant 8 : i32
      "tpu.region"() ({
        %run_scoped3A = tpu.sem_alloc : memref<!tpu.dma_semaphore, #tpu.memory_space<semaphore_mem>>
        %dma_start3A_54 = arith.constant 0 : i32
        %dma_start3A_55 = tpu.memref_slice %arg8[%scan3A_37, %dma_start3A_54] : memref<79x128xi32, #tpu.memory_space<vmem>> -> memref<1x128xi32, #tpu.memory_space<vmem>>
        %dma_start3A_56 = tpu.memref_squeeze %dma_start3A_55 : memref<1x128xi32, #tpu.memory_space<vmem>> -> memref<128xi32, #tpu.memory_space<vmem>>
        %dma_start3A_57 = arith.constant 0 : i32
        %dma_start3A_58 = arith.constant 0 : i32
        %dma_start3A_59 = tpu.memref_slice %arg11[%dma_start3A_57, %dma_start3A_58] : memref<10240x128xf32, #tpu.memory_space<vmem_shared>> -> memref<10240x128xf32, #tpu.memory_space<vmem_shared>>
        tpu.enqueue_indirect_dma source(%arg10 : memref<128x128xf32, #tpu.memory_space<vmem>>) target(%dma_start3A_59 : memref<10240x128xf32, #tpu.memory_space<vmem_shared>>) offsets(%dma_start3A_56 : memref<128xi32, #tpu.memory_space<vmem>>) semaphore(%run_scoped3A : memref<!tpu.dma_semaphore, #tpu.memory_space<semaphore_mem>>) {add = true}
        %dma_wait3A_60 = arith.constant 0 : i32
        %dma_wait3A_61 = tpu.memref_slice %arg8[%scan3A_37, %dma_wait3A_60] : memref<79x128xi32, #tpu.memory_space<vmem>> -> memref<1x128xi32, #tpu.memory_space<vmem>>
        %dma_wait3A_62 = tpu.memref_squeeze %dma_wait3A_61 : memref<1x128xi32, #tpu.memory_space<vmem>> -> memref<128xi32, #tpu.memory_space<vmem>>
        %dma_wait3A_63 = arith.constant 0 : i32
        %dma_wait3A_64 = arith.constant 0 : i32
        %dma_wait3A_65 = tpu.memref_slice %arg11[%dma_wait3A_63, %dma_wait3A_64] : memref<10240x128xf32, #tpu.memory_space<vmem_shared>> -> memref<10240x128xf32, #tpu.memory_space<vmem_shared>>
        tpu.wait_indirect_dma semaphore(%run_scoped3A : memref<!tpu.dma_semaphore, #tpu.memory_space<semaphore_mem>>) src(%arg10 : memref<128x128xf32, #tpu.memory_space<vmem>>) dst(%dma_wait3A_65 : memref<10240x128xf32, #tpu.memory_space<vmem_shared>>)
        tpu.yield
      }) : () -> ()
    }
    %scan3A_31 = arith.constant 79 : i32
    %barrier3A_32 = arith.constant 0 : index
    tpu.barrier barrier_id(%barrier3A_32)
    %mul3A_33 = arith.constant 640 : i32
    %mul3A_34 = arith.muli %arg1, %mul3A_33 : i32
    %mul3A_35 = arith.constant 640 : i32
    %mul3A_36 = arith.muli %arg1, %mul3A_35 : i32
    "tpu.region"() ({
      %run_scoped3A = tpu.sem_alloc : memref<!tpu.dma_semaphore, #tpu.memory_space<semaphore_mem>>
      %dma_start3A = arith.constant 0 : i32
      %dma_start3A_37 = tpu.memref_slice %arg6[%arg0, %mul3A_36, %dma_start3A] : memref<2x10240x128xf32, #tpu.memory_space<hbm>> -> memref<1x640x128xf32, #tpu.memory_space<hbm>>
      %dma_start3A_38 = tpu.memref_squeeze %dma_start3A_37 : memref<1x640x128xf32, #tpu.memory_space<hbm>> -> memref<640x128xf32, #tpu.memory_space<hbm>>
      %dma_start3A_39 = arith.constant 0 : i32
      %dma_start3A_40 = tpu.memref_slice %arg11[%mul3A_34, %dma_start3A_39] : memref<10240x128xf32, #tpu.memory_space<vmem_shared>> -> memref<640x128xf32, #tpu.memory_space<vmem_shared>>
      tpu.enqueue_dma source(%dma_start3A_40 : memref<640x128xf32, #tpu.memory_space<vmem_shared>>) target(%dma_start3A_38 : memref<640x128xf32, #tpu.memory_space<hbm>>) target_semaphore(%run_scoped3A : memref<!tpu.dma_semaphore, #tpu.memory_space<semaphore_mem>>)
      %dma_wait3A = arith.constant 0 : i32
      %dma_wait3A_41 = tpu.memref_slice %arg6[%arg0, %mul3A_36, %dma_wait3A] : memref<2x10240x128xf32, #tpu.memory_space<hbm>> -> memref<1x640x128xf32, #tpu.memory_space<hbm>>
      %dma_wait3A_42 = tpu.memref_squeeze %dma_wait3A_41 : memref<1x640x128xf32, #tpu.memory_space<hbm>> -> memref<640x128xf32, #tpu.memory_space<hbm>>
      %dma_wait3A_43 = arith.constant 0 : i32
      %dma_wait3A_44 = tpu.memref_slice %arg11[%mul3A_34, %dma_wait3A_43] : memref<10240x128xf32, #tpu.memory_space<vmem_shared>> -> memref<640x128xf32, #tpu.memory_space<vmem_shared>>
      tpu.wait_dma2 semaphore(%run_scoped3A : memref<!tpu.dma_semaphore, #tpu.memory_space<semaphore_mem>>) src(%dma_wait3A_44 : memref<640x128xf32, #tpu.memory_space<vmem_shared>>) dst(%dma_wait3A_42 : memref<640x128xf32, #tpu.memory_space<hbm>>)
      tpu.yield
    }) : () -> ()
    return
  }
}

module attributes {stable_mosaic.version = 14 : i64} {
  func.func @body(%arg0: i32, %arg1: memref<2x1000x128xf32, #tpu.memory_space<vmem>>, %arg2: memref<128x128xf32, #tpu.memory_space<vmem>>, %arg3: memref<1000x128xf32, #tpu.memory_space<vmem>>) attributes {dimension_semantics = [#tpu.dimension_semantics<arbitrary>], iteration_bounds = array<i64: 10>, scalar_prefetch = 0 : i64, scratch_operands = 0 : i64, tpu.core_type = #tpu.core_type<tc>, window_params = [{transform_indices = @transform_0, window_bounds = array<i64: 2, 1000, 128>}, {pipeline_mode = #tpu.pipeline_mode<synchronous>, transform_indices = @transform_1, window_bounds = array<i64: 128, 128>}, {transform_indices = @transform_2, window_bounds = array<i64: 1000, 128>}]} {
    %get3A = arith.constant 0 : index
    %get3A_0 = arith.constant 0 : index
    %get3A_1 = arith.constant 0 : index
    %get3A_2 = vector.load %arg1[%get3A, %get3A_0, %get3A_1] : memref<2x1000x128xf32, #tpu.memory_space<vmem>>, vector<1x1000x128xf32>
    %get3A_3 = vector.shape_cast %get3A_2 : vector<1x1000x128xf32> to vector<1000x128xf32>
    %get3A_4 = arith.constant 1 : index
    %get3A_5 = arith.constant 0 : index
    %get3A_6 = arith.constant 0 : index
    %get3A_7 = vector.load %arg1[%get3A_4, %get3A_5, %get3A_6] : memref<2x1000x128xf32, #tpu.memory_space<vmem>>, vector<1x1000x128xf32>
    %get3A_8 = vector.shape_cast %get3A_7 : vector<1x1000x128xf32> to vector<1000x128xf32>
    %add3A = arith.addf %get3A_3, %get3A_8 : vector<1000x128xf32>
    %get3A_9 = arith.constant 0 : index
    %get3A_10 = arith.constant 0 : index
    %get3A_11 = vector.load %arg2[%get3A_9, %get3A_10] : memref<128x128xf32, #tpu.memory_space<vmem>>, vector<128x128xf32>
    %dot_general3A = arith.constant dense<0.000000e+00> : vector<1000x128xf32>
    %dot_general3A_12 = tpu.matmul %add3A, %get3A_11, %dot_general3A {dimension_numbers = #tpu.dot_dimension_numbers<[1], [0], [0], [1], [0, 0, 1, 1], [], []>, transpose_lhs_hint = false} : vector<1000x128xf32>, vector<128x128xf32>, vector<1000x128xf32> -> vector<1000x128xf32>
    %max3A = arith.constant 0.000000e+00 : f32
    %max3A_13 = vector.broadcast %max3A : f32 to vector<1000x128xf32>
    %max3A_14 = arith.maximumf %dot_general3A_12, %max3A_13 : vector<1000x128xf32>
    %swap3A = arith.constant 0 : index
    %swap3A_15 = arith.constant 0 : index
    %swap3A_16 = vector.load %arg3[%swap3A, %swap3A_15] : memref<1000x128xf32, #tpu.memory_space<vmem>>, vector<1000x128xf32>
    tpu.vector_store %arg3[%swap3A, %swap3A_15], %max3A_14 {strides = array<i32>} : memref<1000x128xf32, #tpu.memory_space<vmem>>, vector<1000x128xf32>,
    return
  }
  func.func @transform_0(%arg0: i32) -> (i32, i32, i32) {
    %c0_i32 = arith.constant 0 : i32
    %c0_i32_0 = arith.constant 0 : i32
    %c0_i32_1 = arith.constant 0 : i32
    return %c0_i32, %arg0, %c0_i32_0 : i32, i32, i32
  }
  func.func @transform_1(%arg0: i32) -> (i32, i32) {
    %c0_i32 = arith.constant 0 : i32
    %c0_i32_0 = arith.constant 0 : i32
    %c0_i32_1 = arith.constant 0 : i32
    return %c0_i32, %c0_i32_0 : i32, i32
  }
  func.func @transform_2(%arg0: i32) -> (i32, i32) {
    %c0_i32 = arith.constant 0 : i32
    %c0_i32_0 = arith.constant 0 : i32
    return %arg0, %c0_i32 : i32, i32
  }
}

</mosaic_0001>

<sc_bundles>
// kernel: kernel.4.cloned.1.call-start
scs
__scs_entry_jumppad:
0x0: {  	(pc) =	sbr.rel $0x88, $3  }
0x1: {  	(tag) =	ssettag $0x0;
	lr =	simm.s32 $0x1  }
0x2: {  	[smem:$0x3F9D] =	sst lr;
	_ =	strace $0xD0000000  }
0x3: {  	_ = 	snop  }
0x4: {  	_ = 	snop  }
0x5: {  	_ = 	snop  }
0x6: {  	_ = 	snop  }
0x7: {  	_ = 	snop  }
__scs_overlays_trampoline_lowered:
0x8: {  	[smem:$0x3FAC] =	sst s0  }
0x9: {  	[smem:$0x3FAD] =	sst s1  }
0xa: {  	[smem:$0x3FAE] =	sst s2  }
0xb: {  	[smem:$0x3FAF] =	sst s3  }
0xc: {  	[smem:$0x3FB0] =	sst s4  }
0xd: {  	[smem:$0x3FB1] =	sst s5  }
0xe: {  	[smem:$0x3FB2] =	sst s6  }
0xf: {  	[smem:$0x3FB3] =	sst s7  }
0x10: {  	[smem:$0x3FB4] =	sst s8  }
0x11: {  	[smem:$0x3FB5] =	sst s9;
	s0 =	simm.s32 @!p0 $0x0  }
0x12: {  	s1 =	sld [smem:$0x3F9B];
	s0 =	simm.s32 @p0 $0x1  }
0x13: {  	[smem:$0x3FB6] =	sst s0;
	s0 =	simm.s32 @!p1 $0x0  }
0x14: {  	s2 =	sld [smem:$0x3F9A];
	s0 =	simm.s32 @p1 $0x1  }
0x15: {  	[smem:$0x3FB7] =	sst s0;
	s0 =	simm.s32 @!p2 $0x0  }
0x16: {  	s3 =	sld [smem:$0x3FDB];
	s0 =	simm.s32 @p2 $0x1  }
0x17: {  	s4 =	simm.s32 $0x1BF5;
	[smem:$0x3FB9] =	sst s0  }
0x18: {  	s0 =	sld [smem:$0x3F9C];
	_ =	swait.ge [sflag:s4], $0x0  }
0x19: {  	s7 =	sld [smem:$0x3F9D]  }
0x1a: {  	s8 =	sadd.s32 $0xFFFFE003, lr  }
0x1b: {  	s9 =	sadd.s32 $0xFFFFFEF7, lr;
	s5 =	simm.s32 $0xFFFFFFFF;
	p2 =	slt.u32 s8, $0xFFFFF086  }
0x1c: {  	p1 =	slt.u32 s9, $0xF7A;
	s5 =	simm.s32 @!p2 $0x0  }
0x1d: {  	s5 =	simm.s32 @p1 $0x1;
	p0 =	seq.s32 s7, s2  }
0x1e: {  	s7 =	smul.u32 @!p0 $0xF7A, s2;
	p2 =	seq.s32 @!p0 s5, $0x0  }
0x1f: {  	s9 =	smul.u32 $0xF7A, s1;
	s8 =	simm.s32 @!p0 $0x1BF5;
	p2 =	por !p2, p0  }
0x20: {  	[sflag:s8] =	ssyncset.s32 @!p0 $0xFFFFF086;
	s6 =	sadd.s32 @!p0 s3, s7;
	s7 =	simm.s32 @!p0 $0x108  }
0x21: {  	s3 =	sadd.s32 s3, s9;
	s6 =	sadd.s32 @!p0 $0x88, s6;
	s7 =	simm.s32 @p2 $0x1082  }
0x22: {  	[simem:s7], [sflag:s8] =	dma.local @!p0 [hbm:s6], $0xF7A  }
0x23: {  	s9 =	sor.u32 $0xD0000000, s2;
	s6 =	simm.s32 $0x108;
	_ =	swait.ge @!p0 [sflag:s8], $0x0  }
0x24: {  	s3 =	sadd.s32 $0x88, s3;
	s6 =	simm.s32 @!p1 $0x1082;
	[sflag:s4] =	ssyncset.s32 $0xFFFFF086  }
0x25: {  	[simem:s6], [sflag:s4] =	dma.local [hbm:s3], $0xF7A  }
0x26: {  	[smem:$0x3F9D] =	sst s1;
	(tag) =	ssettag s2;
	_ =	strace s9  }
0x27: {  	s1 =	sld [smem:$0x3FAD]  }
0x28: {  	s2 =	sld [smem:$0x3FAE]  }
0x29: {  	s4 =	sld [smem:$0x3FB0]  }
0x2a: {  	p0 =	seq.s32 s5, $0x0;
	s5 =	sld [smem:$0x3FB1]  }
0x2b: {  	s6 =	sld [smem:$0x3FB2]  }
0x2c: {  	s7 =	sld [smem:$0x3FB3]  }
0x2d: {  	s3 =	simm.s32 $0x108;
	s8 =	sld [smem:$0x3FB4]  }
0x2e: {  	s3 =	simm.s32 @!p0 $0x1082;
	s9 =	sld [smem:$0x3FB5]  }
0x2f: {  	lr =	sadd.s32 s0, s3;
	s0 =	sld [smem:$0x3FAC]  }
0x30: {  	s3 =	sld [smem:$0x3FAF]  }
0x31: {  	[smem:$0x3FB8] =	sst s10  }
0x32: {  	s10 =	sld [smem:$0x3FB6];
	_ =	sdelay $0x3  }
0x33: {  	p0 =	seq.s32 s10, $0x1;
	s10 =	sld [smem:$0x3FB8];
	_ =	sdelay $0x3  }
0x34: {  	[smem:$0x3FB8] =	sst s10  }
0x35: {  	s10 =	sld [smem:$0x3FB7];
	_ =	sdelay $0x3  }
0x36: {  	p1 =	seq.s32 s10, $0x1;
	s10 =	sld [smem:$0x3FB8];
	_ =	sdelay $0x3  }
0x37: {  	[smem:$0x3FB8] =	sst s10  }
0x38: {  	s10 =	sld [smem:$0x3FB9]  }
0x39: {  	_ = 	snop;
	(pc) =	sbr.ind lr, $3  }
0x3a: {  	_ = 	snop  }
0x3b: {  	_ = 	snop  }
0x3c: {  	p2 =	seq.s32 s10, $0x1;
	s10 =	sld [smem:$0x3FB8]  }
0x3d: {  	_ =	shalt  }
0x3e: {  	_ =	shalt  }
0x3f: {  	_ =	shalt  }
0x40: {  	_ =	shalt  }
0x41: {  	_ =	shalt  }
0x42: {  	_ =	shalt  }
0x43: {  	_ =	shalt  }
0x44: {  	_ =	shalt  }
0x45: {  	_ =	shalt  }
0x46: {  	_ =	shalt  }
0x47: {  	_ =	shalt  }
0x48: {  	_ =	shalt  }
0x49: {  	_ =	shalt  }
0x4a: {  	_ =	shalt  }
0x4b: {  	_ =	shalt  }
0x4c: {  	_ =	shalt  }
0x4d: {  	_ =	shalt  }
0x4e: {  	_ =	shalt  }
0x4f: {  	_ =	shalt  }
0x50: {  	_ =	shalt  }
0x51: {  	_ =	shalt  }
0x52: {  	_ =	shalt  }
0x53: {  	_ =	shalt  }
0x54: {  	_ =	shalt  }
0x55: {  	_ =	shalt  }
0x56: {  	_ =	shalt  }
0x57: {  	_ =	shalt  }
0x58: {  	_ =	shalt  }
0x59: {  	_ =	shalt  }
0x5a: {  	_ =	shalt  }
0x5b: {  	_ =	shalt  }
0x5c: {  	_ =	shalt  }
0x5d: {  	_ =	shalt  }
0x5e: {  	_ =	shalt  }
0x5f: {  	_ =	shalt  }
0x60: {  	_ =	shalt  }
0x61: {  	_ =	shalt  }
0x62: {  	_ =	shalt  }
0x63: {  	_ =	shalt  }
0x64: {  	_ =	shalt  }
0x65: {  	_ =	shalt  }
0x66: {  	_ =	shalt  }
0x67: {  	_ =	shalt  }
0x68: {  	_ =	shalt  }
0x69: {  	_ =	shalt  }
0x6a: {  	_ =	shalt  }
0x6b: {  	_ =	shalt  }
0x6c: {  	_ =	shalt  }
0x6d: {  	_ =	shalt  }
0x6e: {  	_ =	shalt  }
0x6f: {  	_ =	shalt  }
0x70: {  	_ =	shalt  }
0x71: {  	_ =	shalt  }
0x72: {  	_ =	shalt  }
0x73: {  	_ =	shalt  }
0x74: {  	_ =	shalt  }
0x75: {  	_ =	shalt  }
0x76: {  	_ =	shalt  }
0x77: {  	_ =	shalt  }
0x78: {  	_ =	shalt  }
0x79: {  	_ =	shalt  }
0x7a: {  	_ =	shalt  }
0x7b: {  	_ =	shalt  }
0x7c: {  	_ =	shalt  }
0x7d: {  	_ =	shalt  }
0x7e: {  	_ =	shalt  }
0x7f: {  	_ =	shalt  }
0x80: {  	_ =	shalt  }
0x81: {  	_ =	shalt  }
0x82: {  	_ =	shalt  }
0x83: {  	_ =	shalt  }
0x84: {  	_ =	shalt  }
0x85: {  	_ =	shalt  }
0x86: {  	_ =	shalt  }
0x87: {  	_ =	shalt  }
.Lfunc_end0:
.L_simem_size_0:
called_computation_lowered:
.L_overlay_start_0:
0x88: {  	s2 =	sld [smem:$0x3FD9]  }
0x89: {  	s3 =	sld [smem:$0x3FFE];
	_ =	sdelay $0x1  }
0x8a: {  	s1 =	srdreg.scid  }
0x8b: {  	s0 =	sand.u32 $0x1, s1  }
0x8c: {  	s17 =	sshll.u32 s0, $0xA;
	s2 =	sadd.s32 s3, s2  }
0x8d: {  	s2 =	sadd.s32 s2, s17  }
0x8e: {  	[smem:$0x3FC4] =	sst s2  }
0x8f: {  	_ = 	snop  }
0x90: {  	s2 =	sld [smem:$0x3FC9]  }
0x91: {  	s18 =	sld [smem:$0x3FD0];
	(tm) =	ssettm $0x1  }
0x92: {  	s4 =	sld [smem:$0x3FFB];
	_ =	sdelay $0x3  }
0x93: {  	_ =	strace s4  }
0x94: {  	s4 =	sld [smem:$0x3FFC];
	_ =	sdelay $0x3  }
0x95: {  	_ =	strace s4  }
0x96: {  	s4 =	sld [smem:$0x3FFD];
	_ =	sdelay $0x3  }
0x97: {  	_ =	strace s4  }
0x98: {  	_ =	strace $0x8FFFFFFF  }
0x99: {  	s19 =	sld [smem:$0x3FDB];
	_ =	sdelay $0x1  }
0x9a: {  	s5 =	simm.s32 $_scs_section_size  }
0x9b: {  	s6 =	simm.s32 $_size__tile_overlayer_lowered;
	s7 =	simm.s32 $_tile_overlayer_lowered  }
0x9c: {  	s22 =	simm.s32 $0x1BFF;
	s21 =	sshll.u32 s7, $0x1;
	s4 =	sadd.s32 s5, s19  }
0x9d: {  	s8 =	simm.s32 $0x0;
	s20 =	sshll.u32 s6, $0x1;
	s6 =	sadd.s32 s21, s4  }
0x9e: {  	[timem:s8], [sflag:s22] =	dma.local [hbm:s6], s20  }
0x9f: {  	_ =	swait.ge [sflag:s22], s20  }
0xa0: {  	s5 =	ssub.s32 $0x0, s20;
	[sflag:s22] =	ssyncset.done $0x0  }
0xa1: {  	[sflag:s22] =	ssyncadd.s32 s5;
	_ =	sdelay $0x1  }
0xa2: {  	s23 =	simm.s32 $0x1B8B  }
0xa3: {  	_ =	swait.ge [sflag:s23], $0x1  }
0xa4: {  	[sflag:s23] =	ssyncset.done $0x0  }
0xa5: {  	s25 =	simm.s32 $0x1B8E;
	s24 =	sld [smem:$0x3FFE];
	[sflag:s23] =	ssyncadd.s32 $0xFFFFFFFF  }
0xa6: {  	s26 =	simm.s32 $execute0_lowered;
	[smem:$0x3FD2] =	sst s25  }
0xa7: {  	s6 =	sshll.u32 s26, $0x1;
	_ =	strace $0x80000046;
	[dreg:$0x1] =	wrdreg $0xFFFFFFFF  }
0xa8: {  	s28 =	simm.s32 $_size_execute0_lowered;
	s4 =	sadd.s32 s4, s6;
	[dreg:$0x0] =	wrdreg $0x0  }
0xa9: {  	s6 =	sshll.u32 s28, $0x1;
	[dreg:$0x2] =	wrdreg s4  }
0xaa: {  	[dreg:$0x3] =	wrdreg s6  }
0xab: {  	[dreg:$0x4] =	wrdreg $0xC0  }
0xac: {  	_ =	task [dreg:s8], $0x5FFFF  }
0xad: {  	[dreg:$0x1] =	wrdreg $0xFFFFFFFF  }
0xae: {  	[dreg:$0x0] =	wrdreg $0x60  }
0xaf: {  	[dreg:$0x2] =	wrdreg s2  }
0xb0: {  	[dreg:$0x3] =	wrdreg s18  }
0xb1: {  	[dreg:$0x4] =	wrdreg s24  }
0xb2: {  	[dreg:$0x5] =	wrdreg $0xB8000  }
0xb3: {  	[dreg:$0x6] =	wrdreg $0x9  }
0xb4: {  	_ =	task.clear_ibuf [dreg:s8], $0x7FFFF;
	_ =	strace $0x90000046  }
0xb5: {  	s29 =	simm.s32 $0x9;
	_ =	strace $0x80000048  }
0xb6: {  	_ =	swait.ge [sflag:s29], $0x1  }
0xb7: {  	[sflag:s29] =	ssyncadd.s32 $0xFFFFFFFF  }
0xb8: {  	_ =	strace $0x90000048  }
0xb9: {  	_ =	sfence  }
0xba: {  	s30 =	sld [smem:$0x0];
	_ =	sdelay $0x2  }
0xbb: {  	s31 =	sshll.u32 s1, $0xD;
	s1 =	sshrl.u32 s1, $0x2  }
0xbc: {  	s3 =	sand.u32 $0x4000, s31;
	s1 =	sadd.s32 s1, s30  }
0xbd: {  	s0 =	sor.u32 s3, s0;
	s1 =	sshll.u32 s1, $0x11  }
0xbe: {  	s0 =	sor.u32 s1, s0  }
0xbf: {  	s0 =	sadd.s32 $0x8F2B, s0  }
0xc0: {  	[sflag:s0] =	ssyncadd.remote.s32 $0x1  }
0xc1: {  	_ =	sfence.sel $0xFFFF  }
0xc2: {  	[dreg:$0x0] =	wrdreg $0xFFFFFFFF;
	(pc) =	sbr.abs _section_cstart, $3  }
0xc3: {  	[dreg:$0x1] =	wrdreg $0xFFFFFFFF  }
0xc4: {  	_ =	task.clear_ibuf [dreg:s8], $0x2FFFF;
	_ =	strace $0x9FFFFFFF  }
0xc5: {  	(tm) =	ssettm $0x7FFFFFFF  }
tec
execute0_lowered:
.L_overlay_start_1:
0x0: {  	(tag) =	ssettag $0x1  }
0x1: {  	s1 =	rddreg [dreg:$0x0]  }
0x2: {  	s7 =	rddreg [dreg:$0x1]  }
0x3: {  	s5 =	rddreg [dreg:$0x2]  }
0x4: {  	s3 =	rddreg [dreg:$0x3]  }
0x5: {  	s2 =	srdreg.scid;
	s0 =	rddreg [dreg:$0x4]  }
0x6: {  	s4 =	simm.s32 $0x0;
	s15 =	simm.s32 $0x2;
	s16 =	simm.s32 $0x2800  }
0x7: {  	s17 =	simm.s32 $0x5000;
	s18 =	simm.s32 $0x7800;
	s19 =	simm.s32 $0x80  }
0x8: {  	s20 =	simm.s32 $0x1;
	s6 =	sand.u32 $0x1, s2;
	s2 =	stileid.u32  }
0x9: {  	s23 =	simm.s32 $0x0;
	[smem:$0x7FF] =	sst s4;
	s9 =	smul.u32 $0x140000, s6  }
0xa: {  	s8 =	sshll.u32 s6, $0x4;
	s10 =	smul.u32 $0x14000, s2;
	_ =	strace $0x80000047  }
0xb: {  	s29 =	smul.u32 $0x50000, s2;
	s6 =	ssub.s32 $0x2, s6;
	s21 =	sshll.u32 s2, $0x6  }
0xc: {  	s8 =	sor.u32 s2, s8;
	s30 =	sshrl.u32 s6, $0x1;
	s21 =	sor.u32 $0x1C02, s21  }
0xd: {  	v0 =	vimm.f32 $0.0e+00;
	v1 =	vimm.s32 $0x0;
	s8 =	smul.u32 $0x500, s8;
	s9 =	sadd.s32 s10, s9;
	s31 =	sshrl.u32 s29, $0x2  }
0xe: {  	v2 =	vimm.s32 $0x1;
	v3 =	vimm.s32 $0x2;
	v4 =	vimm.s32 $0x3;
	s14 =	ssub.s32 s6, s30;
	s9 =	sshrl.u32 s9, $0x3;
	s6 =	sadd.s32 s31, s3  }
0xf: {  	v5 =	vimm.s32 $0x4;
	v6 =	vimm.s32 $0x5;
	v7 =	vimm.s32 $0x6;
	s14 =	smax.u32 s14, $0x1;
	s11 =	sadd.s32 s8, s5;
	s13 =	sadd.s32 s9, s5  }
0x10: {  	v8 =	vimm.s32 $0x7;
	v9 =	vimm.s32 $0x8;
	v10 =	vimm.s32 $0x9;
	s7 =	sadd.s32 s7, s8;
	s9 =	sadd.s32 $0x4000, s6;
	s10 =	sadd.s32 $0x8000, s6  }
0x11: {  	v11 =	vimm.s32 $0xA;
	v12 =	vimm.s32 $0xB;
	v13 =	vimm.s32 $0xC;
	s12 =	sadd.s32 $0x10000, s6;
	s22 =	sshrl.u32 s6, $0x3;
	s5 =	sadd.s32 $0xA200, s11  }
0x12: {  	v14 =	vimm.s32 $0xD;
	v15 =	vimm.s32 $0xE;
	v16 =	vimm.s32 $0xF;
	s8 =	sadd.s32 $0x200, s11;
	s11 =	sadd.s32 $0xC000, s6;
	s13 =	sadd.s32 $0x14200, s13  }
.LBB2_1:
0x13: {  	[tilespmem:s4], [sflag:$0x2] =	stream.linear.gather [hbm4b:s5+s4], $0x2780, $0x38;
	[tilespmem:$0x1F800] =	vst v63  }
0x14: {  	_ =	swait.ge [sflag:s15], $0x2780  }
0x15: {  	[sflag:s15] =	ssyncset.done $0x0  }
0x16: {  	[sflag:s15] =	ssyncadd.s32 $0xFFFFD880  }
0x17: {  	[tilespmem:s16], [sflag:$0x2] =	stream.linear.gather [hbm4b:s7+s4], $0x2780, $0x38;
	[tilespmem:$0x1F800] =	vst v63  }
0x18: {  	_ =	swait.ge [sflag:s15], $0x2780  }
0x19: {  	[sflag:s15] =	ssyncset.done $0x0  }
0x1a: {  	[sflag:s15] =	ssyncadd.s32 $0xFFFFD880  }
0x1b: {  	[tilespmem:s17], [sflag:$0x2] =	stream.linear.gather [hbm4b:s8+s4], $0x2780, $0x38;
	[tilespmem:$0x1F800] =	vst v63  }
0x1c: {  	_ =	swait.ge [sflag:s15], $0x2780  }
0x1d: {  	[sflag:s15] =	ssyncset.done $0x0  }
0x1e: {  	s24 =	simm.s32 $0x0;
	s25 =	simm.s32 $0x200;
	[sflag:s15] =	ssyncadd.s32 $0xFFFFD880  }
.LBB2_2:
0x1f: {  	p0 =	sne.s32 s25, $0xFE00;
	[tilespmem:s24+$0x7870] =	vst v0  }
0x20: {  	[tilespmem:s24+$0x7800] =	vst v0  }
0x21: {  	[tilespmem:s24+$0x7810] =	vst v0  }
.Ltmp0:
0x22: {  	[tilespmem:s24+$0x7820] =	vst v0;
	(pc) =	sbr.rel @p0 .LBB2_2-.Ltmp0, $4  }
0x23: {  	[tilespmem:s24+$0x7830] =	vst v0  }
0x24: {  	[tilespmem:s24+$0x7840] =	vst v0  }
0x25: {  	[tilespmem:s24+$0x7850] =	vst v0  }
0x26: {  	[tilespmem:s24+$0x7860] =	vst v0;
	s24 =	sshra.s32 s25, $0x2;
	s25 =	sadd.s32 $0x200, s25  }
0x27: {  	[tilespmem:s24+$0x7870] =	vst v0  }
0x28: {  	[tilespmem:s24+$0x7800] =	vst v0  }
0x29: {  	[tilespmem:s24+$0x7810] =	vst v0  }
0x2a: {  	[tilespmem:s24+$0x7820] =	vst v0  }
0x2b: {  	[tilespmem:s24+$0x7830] =	vst v0  }
0x2c: {  	[tilespmem:s24+$0x7840] =	vst v0  }
0x2d: {  	[tilespmem:s24+$0x7850] =	vst v0  }
0x2e: {  	[tilespmem:s24+$0x7860] =	vst v0  }
0x2f: {  	[spmem:s6] =	stream.linear.scatter [tilespmem:s18], [sflag:$0x2], $0x4000, $0x38;
	[tilespmem:$0x1F800] =	vst v63  }
0x30: {  	_ =	swait.ge [sflag:s15], $0x4000  }
0x31: {  	[sflag:s15] =	ssyncset.done $0x0  }
0x32: {  	[sflag:s15] =	ssyncadd.s32 $0xFFFFC000  }
0x33: {  	[spmem:s9] =	stream.linear.scatter [tilespmem:s18], [sflag:$0x2], $0x4000, $0x38;
	[tilespmem:$0x1F800] =	vst v63  }
0x34: {  	_ =	swait.ge [sflag:s15], $0x4000  }
0x35: {  	[sflag:s15] =	ssyncset.done $0x0  }
0x36: {  	[sflag:s15] =	ssyncadd.s32 $0xFFFFC000  }
0x37: {  	[spmem:s10] =	stream.linear.scatter [tilespmem:s18], [sflag:$0x2], $0x4000, $0x38;
	[tilespmem:$0x1F800] =	vst v63  }
0x38: {  	_ =	swait.ge [sflag:s15], $0x4000  }
0x39: {  	[sflag:s15] =	ssyncset.done $0x0  }
0x3a: {  	[sflag:s15] =	ssyncadd.s32 $0xFFFFC000  }
0x3b: {  	[spmem:s11] =	stream.linear.scatter [tilespmem:s18], [sflag:$0x2], $0x4000, $0x38;
	[tilespmem:$0x1F800] =	vst v63  }
0x3c: {  	_ =	swait.ge [sflag:s15], $0x4000  }
0x3d: {  	[sflag:s15] =	ssyncset.done $0x0  }
0x3e: {  	[sflag:s15] =	ssyncadd.s32 $0xFFFFC000  }
0x3f: {  	[spmem:s12] =	stream.linear.scatter [tilespmem:s18], [sflag:$0x2], $0x4000, $0x38;
	[tilespmem:$0x1F800] =	vst v63  }
0x40: {  	_ =	swait.ge [sflag:s15], $0x4000  }
0x41: {  	[sflag:s15] =	ssyncset.done $0x0  }
0x42: {  	[sflag:s15] =	ssyncadd.s32 $0xFFFFC000  }
0x43: {  	s24 =	simm.s32 $0x0;
	[bflag:$0x0] =	sbarrier.arrive $0xFFFF  }
.LBB2_4:
0x44: {  	s25 =	sshll.u32 s24, $0x7  }
0x45: {  	[tilespmem:s18], [sflag:$0x1] =	stream.indirect.gather [hbm4b:s1+s19], $0x80, s25, s19, $0xb8;
	[tilespmem:$0x1F800] =	vst v63  }
0x46: {  	s26 =	sadd.s32 $0x5000, s25  }
0x47: {  	_ =	swait.ge [sflag:s20], $0x4000;
	v17 =	vmov s26  }
0x48: {  	[sflag:s20] =	ssyncset.done $0x0  }
0x49: {  	s26 =	simm.s32 $0x0;
	[sflag:s20] =	ssyncadd.s32 $0xFFFFC000  }
.LBB2_5:
0x4a: {  	s28 =	sshll.u32 s26, $0x4  }
0x4b: {  	s28 =	sand.u32 $0x3FFFFFF0, s28  }
0x4c: {  	s31 =	sshll.u32 s26, $0xB;
	v18 =	vld.idx.msk [tilespmem:v17+s28+$0x0 ss:$0x1], $0xffff  }
0x4d: {  	s28 =	sand.u32 $0x3FFFF800, s31  }
0x4e: {  	v19 =	vld [tilespmem:s28+$0x7800]  }
0x4f: {  	v20 =	vld [tilespmem:s28+$0x7810]  }
0x50: {  	v21 =	vld [tilespmem:s28+$0x7820]  }
0x51: {  	v23 =	vld [tilespmem:s28+$0x7830];
	v22 =	vperm.xlane v18, v1  }
0x52: {  	v24 =	vld [tilespmem:s28+$0x7840]  }
0x53: {  	v25 =	vld [tilespmem:s28+$0x7850];
	v19 =	vmul.f32 v19, v22  }
0x54: {  	v26 =	vld [tilespmem:s28+$0x7860];
	v20 =	vmul.f32 v20, v22  }
0x55: {  	v43 =	vld [tilespmem:s28+$0x7870];
	[tilespmem:s28+$0x7800] =	vst v19;
	v19 =	vmul.f32 v21, v22  }
0x56: {  	v45 =	vld [tilespmem:s28+$0x7880];
	v44 =	vmul.f32 v23, v22;
	[tilespmem:s28+$0x7810] =	vst v20  }
0x57: {  	v46 =	vld [tilespmem:s28+$0x7890];
	[tilespmem:s28+$0x7820] =	vst v19;
	v19 =	vmul.f32 v24, v22  }
0x58: {  	v48 =	vld [tilespmem:s28+$0x78A0];
	v47 =	vmul.f32 v25, v22;
	[tilespmem:s28+$0x7830] =	vst v44  }
0x59: {  	v27 =	vld [tilespmem:s28+$0x78B0];
	v49 =	vperm.xlane v18, v2;
	[tilespmem:s28+$0x7840] =	vst v19;
	v19 =	vmul.f32 v26, v22  }
0x5a: {  	v51 =	vld [tilespmem:s28+$0x78C0];
	v50 =	vmul.f32 v43, v22;
	[tilespmem:s28+$0x7850] =	vst v47  }
0x5b: {  	v52 =	vld [tilespmem:s28+$0x78D0];
	[tilespmem:s28+$0x7860] =	vst v19;
	v19 =	vmul.f32 v45, v49  }
0x5c: {  	v54 =	vld [tilespmem:s28+$0x78E0];
	v53 =	vmul.f32 v46, v49;
	[tilespmem:s28+$0x7870] =	vst v50  }
0x5d: {  	v55 =	vld [tilespmem:s28+$0x78F0];
	[tilespmem:s28+$0x7880] =	vst v19;
	v19 =	vmul.f32 v48, v49  }
0x5e: {  	v57 =	vld [tilespmem:s28+$0x7900];
	v56 =	vmul.f32 v27, v49;
	[tilespmem:s28+$0x7890] =	vst v53  }
0x5f: {  	v58 =	vld [tilespmem:s28+$0x7910];
	[tilespmem:s28+$0x78A0] =	vst v19;
	v19 =	vmul.f32 v51, v49  }
0x60: {  	v60 =	vld [tilespmem:s28+$0x7920];
	v59 =	vmul.f32 v52, v49;
	[tilespmem:s28+$0x78B0] =	vst v56  }
0x61: {  	v62 =	vld [tilespmem:s28+$0x7930];
	v61 =	vperm.xlane v18, v3;
	[tilespmem:s28+$0x78C0] =	vst v19;
	v19 =	vmul.f32 v54, v49  }
0x62: {  	v28 =	vld [tilespmem:s28+$0x7940];
	v63 =	vmul.f32 v55, v49;
	[tilespmem:s28+$0x78D0] =	vst v59  }
0x63: {  	v29 =	vld [tilespmem:s28+$0x7950];
	[tilespmem:s28+$0x78E0] =	vst v19;
	v19 =	vmul.f32 v57, v61  }
0x64: {  	v31 =	vld [tilespmem:s28+$0x7960];
	v30 =	vmul.f32 v58, v61;
	[tilespmem:s28+$0x78F0] =	vst v63  }
0x65: {  	v32 =	vld [tilespmem:s28+$0x7970];
	[tilespmem:s28+$0x7900] =	vst v19;
	v19 =	vmul.f32 v60, v61  }
0x66: {  	v34 =	vld [tilespmem:s28+$0x7980];
	v33 =	vmul.f32 v62, v61;
	[tilespmem:s28+$0x7910] =	vst v30  }
0x67: {  	v35 =	vld [tilespmem:s28+$0x7990];
	[tilespmem:s28+$0x7920] =	vst v19;
	v19 =	vmul.f32 v28, v61  }
0x68: {  	v37 =	vld [tilespmem:s28+$0x79A0];
	v36 =	vmul.f32 v29, v61;
	[tilespmem:s28+$0x7930] =	vst v33  }
0x69: {  	v39 =	vld [tilespmem:s28+$0x79B0];
	v38 =	vperm.xlane v18, v4;
	[tilespmem:s28+$0x7940] =	vst v19;
	v19 =	vmul.f32 v31, v61  }
0x6a: {  	v41 =	vld [tilespmem:s28+$0x79C0];
	v40 =	vmul.f32 v32, v61;
	[tilespmem:s28+$0x7950] =	vst v36  }
0x6b: {  	v45 =	vld [tilespmem:s28+$0x79F0];
	[tilespmem:s28+$0x7960] =	vst v19;
	v19 =	vmul.f32 v34, v38  }
0x6c: {  	v43 =	vmul.f32 v35, v38;
	[tilespmem:s28+$0x7970] =	vst v40;
	v44 =	vld [tilespmem:s28+$0x79E0]  }
0x6d: {  	v42 =	vld [tilespmem:s28+$0x79D0];
	[tilespmem:s28+$0x7980] =	vst v19;
	v19 =	vmul.f32 v37, v38  }
0x6e: {  	v46 =	vmul.f32 v39, v38;
	[tilespmem:s28+$0x7990] =	vst v43;
	v47 =	vld [tilespmem:s28+$0x7A00]  }
0x6f: {  	v52 =	vld [tilespmem:s28+$0x7A30];
	[tilespmem:s28+$0x79A0] =	vst v19;
	v19 =	vmul.f32 v41, v38  }
0x70: {  	[tilespmem:s28+$0x79B0] =	vst v46;
	v50 =	vld [tilespmem:s28+$0x7A20];
	v53 =	vmul.f32 v45, v38  }
0x71: {  	v55 =	vld [tilespmem:s28+$0x7A50];
	v51 =	vperm.xlane v18, v5;
	[tilespmem:s28+$0x79C0] =	vst v19;
	v19 =	vmul.f32 v44, v38  }
0x72: {  	v49 =	vmul.f32 v42, v38;
	v54 =	vld [tilespmem:s28+$0x7A40];
	[tilespmem:s28+$0x79F0] =	vst v53  }
0x73: {  	v58 =	vld [tilespmem:s28+$0x7A70];
	[tilespmem:s28+$0x79E0] =	vst v19;
	v19 =	vmul.f32 v47, v51  }
0x74: {  	v59 =	vmul.f32 v52, v51;
	[tilespmem:s28+$0x79D0] =	vst v49;
	v57 =	vld [tilespmem:s28+$0x7A60]  }
0x75: {  	v48 =	vld [tilespmem:s28+$0x7A10];
	[tilespmem:s28+$0x7A00] =	vst v19;
	v19 =	vmul.f32 v50, v51  }
0x76: {  	v62 =	vmul.f32 v55, v51;
	[tilespmem:s28+$0x7A30] =	vst v59;
	v60 =	vld [tilespmem:s28+$0x7A80]  }
0x77: {  	v40 =	vld [tilespmem:s28+$0x7B10];
	[tilespmem:s28+$0x7A20] =	vst v19;
	v19 =	vmul.f32 v54, v51  }
0x78: {  	v63 =	vld [tilespmem:s28+$0x7AA0];
	v32 =	vmul.f32 v58, v51;
	[tilespmem:s28+$0x7A50] =	vst v62  }
0x79: {  	v30 =	vperm.xlane v18, v6;
	v61 =	vld [tilespmem:s28+$0x7A90];
	[tilespmem:s28+$0x7A40] =	vst v19;
	v19 =	vmul.f32 v57, v51  }
0x7a: {  	v33 =	vld [tilespmem:s28+$0x7AC0];
	v43 =	vperm.xlane v18, v7;
	v56 =	vmul.f32 v48, v51;
	[tilespmem:s28+$0x7A70] =	vst v32  }
0x7b: {  	v53 =	vld [tilespmem:s28+$0x7B90];
	[tilespmem:s28+$0x7A60] =	vst v19;
	v19 =	vmul.f32 v60, v30  }
0x7c: {  	v36 =	vld [tilespmem:s28+$0x7AE0];
	v48 =	vmul.f32 v40, v43;
	[tilespmem:s28+$0x7A10] =	vst v56  }
0x7d: {  	v31 =	vld [tilespmem:s28+$0x7AB0];
	[tilespmem:s28+$0x7A80] =	vst v19;
	v19 =	vmul.f32 v63, v30  }
0x7e: {  	v39 =	vld [tilespmem:s28+$0x7B00];
	[tilespmem:s28+$0x7B10] =	vst v48;
	v56 =	vperm.xlane v18, v8;
	v35 =	vmul.f32 v61, v30  }
0x7f: {  	v34 =	vld [tilespmem:s28+$0x7AD0];
	[tilespmem:s28+$0x7AA0] =	vst v19;
	v19 =	vmul.f32 v33, v30  }
0x80: {  	v42 =	vld [tilespmem:s28+$0x7B20];
	v61 =	vmul.f32 v53, v56;
	[tilespmem:s28+$0x7A90] =	vst v35  }
0x81: {  	v37 =	vld [tilespmem:s28+$0x7AF0];
	[tilespmem:s28+$0x7AC0] =	vst v19;
	v19 =	vmul.f32 v36, v30  }
0x82: {  	v46 =	vld [tilespmem:s28+$0x7B40];
	[tilespmem:s28+$0x7B90] =	vst v61;
	v38 =	vmul.f32 v31, v30  }
0x83: {  	v47 =	vld [tilespmem:s28+$0x7B50];
	[tilespmem:s28+$0x7AE0] =	vst v19;
	v19 =	vmul.f32 v39, v43  }
0x84: {  	v49 =	vld [tilespmem:s28+$0x7B60];
	v41 =	vmul.f32 v34, v30;
	[tilespmem:s28+$0x7AB0] =	vst v38  }
0x85: {  	v38 =	vld [tilespmem:s28+$0x7C50];
	[tilespmem:s28+$0x7B00] =	vst v19;
	v19 =	vmul.f32 v42, v43  }
0x86: {  	v52 =	vld [tilespmem:s28+$0x7B80];
	[tilespmem:s28+$0x7AD0] =	vst v41;
	v45 =	vmul.f32 v37, v30  }
0x87: {  	v44 =	vld [tilespmem:s28+$0x7B30];
	[tilespmem:s28+$0x7B20] =	vst v19;
	v19 =	vmul.f32 v46, v43  }
0x88: {  	v55 =	vld [tilespmem:s28+$0x7BA0];
	v34 =	vperm.xlane v18, v9;
	[tilespmem:s28+$0x7AF0] =	vst v45;
	v54 =	vmul.f32 v47, v43  }
0x89: {  	v50 =	vld [tilespmem:s28+$0x7B70];
	[tilespmem:s28+$0x7B40] =	vst v19;
	v19 =	vmul.f32 v49, v43  }
0x8a: {  	v59 =	vld [tilespmem:s28+$0x7BC0];
	v45 =	vmul.f32 v38, v34;
	[tilespmem:s28+$0x7B50] =	vst v54  }
0x8b: {  	v57 =	vld [tilespmem:s28+$0x7BB0];
	[tilespmem:s28+$0x7B60] =	vst v19;
	v19 =	vmul.f32 v52, v56  }
0x8c: {  	v62 =	vld [tilespmem:s28+$0x7BE0];
	v51 =	vmul.f32 v44, v43;
	[tilespmem:s28+$0x7C50] =	vst v45  }
0x8d: {  	v60 =	vld [tilespmem:s28+$0x7BD0];
	[tilespmem:s28+$0x7B80] =	vst v19;
	v19 =	vmul.f32 v55, v56  }
0x8e: {  	v58 =	vmul.f32 v50, v43;
	[tilespmem:s28+$0x7B30] =	vst v51;
	v30 =	vld [tilespmem:s28+$0x7C00]  }
0x8f: {  	v51 =	vld [tilespmem:s28+$0x7CD0];
	[tilespmem:s28+$0x7BA0] =	vst v19;
	v19 =	vmul.f32 v59, v56  }
0x90: {  	[tilespmem:s28+$0x7B70] =	vst v58;
	v29 =	vmul.f32 v57, v56;
	v33 =	vld [tilespmem:s28+$0x7C20]  }
0x91: {  	v63 =	vld [tilespmem:s28+$0x7BF0];
	[tilespmem:s28+$0x7BC0] =	vst v19;
	v19 =	vmul.f32 v62, v56  }
0x92: {  	v37 =	vld [tilespmem:s28+$0x7C40];
	v47 =	vperm.xlane v18, v10;
	[tilespmem:s28+$0x7BB0] =	vst v29;
	v32 =	vmul.f32 v60, v56  }
0x93: {  	v61 =	vld [tilespmem:s28+$0x7D30];
	[tilespmem:s28+$0x7BE0] =	vst v19;
	v19 =	vmul.f32 v30, v34  }
0x94: {  	v40 =	vld [tilespmem:s28+$0x7C60];
	v58 =	vmul.f32 v51, v47;
	[tilespmem:s28+$0x7BD0] =	vst v32  }
0x95: {  	v31 =	vld [tilespmem:s28+$0x7C10];
	[tilespmem:s28+$0x7C00] =	vst v19;
	v19 =	vmul.f32 v33, v34  }
0x96: {  	v60 =	vperm.xlane v18, v11;
	v36 =	vmul.f32 v63, v56;
	[tilespmem:s28+$0x7CD0] =	vst v58;
	v43 =	vld [tilespmem:s28+$0x7C80]  }
0x97: {  	v57 =	vld [tilespmem:s28+$0x7D10];
	[tilespmem:s28+$0x7C20] =	vst v19;
	v19 =	vmul.f32 v37, v34  }
0x98: {  	v32 =	vmul.f32 v61, v60;
	[tilespmem:s28+$0x7BF0] =	vst v36;
	v46 =	vld [tilespmem:s28+$0x7CA0]  }
0x99: {  	v35 =	vld [tilespmem:s28+$0x7C30];
	[tilespmem:s28+$0x7C40] =	vst v19;
	v19 =	vmul.f32 v40, v34  }
0x9a: {  	v50 =	vld [tilespmem:s28+$0x7CC0];
	v39 =	vmul.f32 v31, v34;
	[tilespmem:s28+$0x7D30] =	vst v32  }
0x9b: {  	v28 =	vld [tilespmem:s28+$0x7D50];
	[tilespmem:s28+$0x7C60] =	vst v19;
	v19 =	vmul.f32 v43, v47  }
0x9c: {  	v53 =	vld [tilespmem:s28+$0x7CE0];
	v29 =	vmul.f32 v57, v60;
	[tilespmem:s28+$0x7C10] =	vst v39  }
0x9d: {  	v31 =	vld [tilespmem:s28+$0x7D70];
	[tilespmem:s28+$0x7C80] =	vst v19;
	v19 =	vmul.f32 v46, v47  }
0x9e: {  	v42 =	vmul.f32 v35, v34;
	[tilespmem:s28+$0x7D10] =	vst v29;
	v56 =	vld [tilespmem:s28+$0x7D00]  }
0x9f: {  	v41 =	vld [tilespmem:s28+$0x7C70];
	[tilespmem:s28+$0x7CA0] =	vst v19;
	v19 =	vmul.f32 v50, v47  }
0xa0: {  	v35 =	vmul.f32 v28, v60;
	[tilespmem:s28+$0x7C30] =	vst v42;
	v59 =	vld [tilespmem:s28+$0x7D20]  }
0xa1: {  	v44 =	vld [tilespmem:s28+$0x7C90];
	[tilespmem:s28+$0x7CC0] =	vst v19;
	v19 =	vmul.f32 v53, v47  }
0xa2: {  	v63 =	vld [tilespmem:s28+$0x7D40];
	[tilespmem:s28+$0x7D50] =	vst v35;
	v39 =	vmul.f32 v31, v60  }
0xa3: {  	v48 =	vld [tilespmem:s28+$0x7CB0];
	[tilespmem:s28+$0x7CE0] =	vst v19;
	v19 =	vmul.f32 v56, v60  }
0xa4: {  	v49 =	vmul.f32 v41, v34;
	[tilespmem:s28+$0x7D70] =	vst v39;
	v30 =	vld [tilespmem:s28+$0x7D60]  }
0xa5: {  	v54 =	vld [tilespmem:s28+$0x7CF0];
	[tilespmem:s28+$0x7D00] =	vst v19;
	v19 =	vmul.f32 v59, v60  }
0xa6: {  	[tilespmem:s28+$0x7C70] =	vst v49;
	v52 =	vmul.f32 v44, v47;
	v33 =	vld [tilespmem:s28+$0x7D80]  }
0xa7: {  	v38 =	vld [tilespmem:s28+$0x7DB0];
	[tilespmem:s28+$0x7D20] =	vst v19;
	v19 =	vmul.f32 v63, v60  }
0xa8: {  	v36 =	vld [tilespmem:s28+$0x7DA0];
	[tilespmem:s28+$0x7C90] =	vst v52;
	v55 =	vmul.f32 v48, v47  }
0xa9: {  	v41 =	vld [tilespmem:s28+$0x7DD0];
	v37 =	vperm.xlane v18, v12;
	[tilespmem:s28+$0x7D40] =	vst v19;
	v19 =	vmul.f32 v30, v60  }
0xaa: {  	[tilespmem:s28+$0x7CB0] =	vst v55;
	v62 =	vmul.f32 v54, v47;
	v40 =	vld [tilespmem:s28+$0x7DC0]  }
0xab: {  	v44 =	vld [tilespmem:s28+$0x7DF0];
	[tilespmem:s28+$0x7D60] =	vst v19;
	v19 =	vmul.f32 v33, v37  }
0xac: {  	[tilespmem:s28+$0x7CF0] =	vst v62;
	v45 =	vmul.f32 v38, v37;
	v43 =	vld [tilespmem:s28+$0x7DE0]  }
0xad: {  	v34 =	vld [tilespmem:s28+$0x7D90];
	[tilespmem:s28+$0x7D80] =	vst v19;
	v19 =	vmul.f32 v36, v37  }
0xae: {  	v48 =	vmul.f32 v41, v37;
	[tilespmem:s28+$0x7DB0] =	vst v45;
	v46 =	vld [tilespmem:s28+$0x7E00]  }
0xaf: {  	v51 =	vld [tilespmem:s28+$0x7E30];
	[tilespmem:s28+$0x7DA0] =	vst v19;
	v19 =	vmul.f32 v40, v37  }
0xb0: {  	v49 =	vld [tilespmem:s28+$0x7E20];
	v52 =	vmul.f32 v44, v37;
	[tilespmem:s28+$0x7DD0] =	vst v48  }
0xb1: {  	v54 =	vld [tilespmem:s28+$0x7E50];
	v50 =	vperm.xlane v18, v13;
	[tilespmem:s28+$0x7DC0] =	vst v19;
	v19 =	vmul.f32 v43, v37  }
0xb2: {  	[tilespmem:s28+$0x7DF0] =	vst v52;
	v42 =	vmul.f32 v34, v37;
	v53 =	vld [tilespmem:s28+$0x7E40]  }
0xb3: {  	v57 =	vld [tilespmem:s28+$0x7E70];
	[tilespmem:s28+$0x7DE0] =	vst v19;
	v19 =	vmul.f32 v46, v50  }
0xb4: {  	[tilespmem:s28+$0x7D90] =	vst v42;
	v58 =	vmul.f32 v51, v50;
	v56 =	vld [tilespmem:s28+$0x7E60]  }
0xb5: {  	v47 =	vld [tilespmem:s28+$0x7E10];
	[tilespmem:s28+$0x7E00] =	vst v19;
	v19 =	vmul.f32 v49, v50  }
0xb6: {  	v61 =	vmul.f32 v54, v50;
	[tilespmem:s28+$0x7E30] =	vst v58;
	v59 =	vld [tilespmem:s28+$0x7E80]  }
0xb7: {  	v39 =	vld [tilespmem:s28+$0x7F10];
	[tilespmem:s28+$0x7E20] =	vst v19;
	v19 =	vmul.f32 v53, v50  }
0xb8: {  	v62 =	vld [tilespmem:s28+$0x7EA0];
	v31 =	vmul.f32 v57, v50;
	[tilespmem:s28+$0x7E50] =	vst v61  }
0xb9: {  	v63 =	vperm.xlane v18, v14;
	v60 =	vld [tilespmem:s28+$0x7E90];
	[tilespmem:s28+$0x7E40] =	vst v19;
	v19 =	vmul.f32 v56, v50  }
0xba: {  	v32 =	vld [tilespmem:s28+$0x7EC0];
	v42 =	vperm.xlane v18, v15;
	[tilespmem:s28+$0x7E70] =	vst v31;
	v55 =	vmul.f32 v47, v50  }
0xbb: {  	v33 =	vld [tilespmem:s28+$0x7ED0];
	[tilespmem:s28+$0x7E60] =	vst v19;
	v19 =	vmul.f32 v59, v63  }
0xbc: {  	v35 =	vld [tilespmem:s28+$0x7EE0];
	v47 =	vmul.f32 v39, v42;
	[tilespmem:s28+$0x7E10] =	vst v55  }
0xbd: {  	v30 =	vld [tilespmem:s28+$0x7EB0];
	[tilespmem:s28+$0x7E80] =	vst v19;
	v19 =	vmul.f32 v62, v63  }
0xbe: {  	v38 =	vld [tilespmem:s28+$0x7F00];
	[tilespmem:s28+$0x7F10] =	vst v47;
	v34 =	vmul.f32 v60, v63  }
0xbf: {  	v36 =	vld [tilespmem:s28+$0x7EF0];
	[tilespmem:s28+$0x7EA0] =	vst v19;
	v19 =	vmul.f32 v32, v63  }
0xc0: {  	v41 =	vld [tilespmem:s28+$0x7F20];
	[tilespmem:s28+$0x7E90] =	vst v34;
	v40 =	vmul.f32 v33, v63  }
0xc1: {  	v46 =	vld [tilespmem:s28+$0x7F50];
	[tilespmem:s28+$0x7EC0] =	vst v19;
	v19 =	vmul.f32 v35, v63  }
0xc2: {  	v45 =	vld [tilespmem:s28+$0x7F40];
	v37 =	vmul.f32 v30, v63;
	[tilespmem:s28+$0x7ED0] =	vst v40  }
0xc3: {  	v43 =	vld [tilespmem:s28+$0x7F30];
	[tilespmem:s28+$0x7EE0] =	vst v19;
	v19 =	vmul.f32 v38, v42  }
0xc4: {  	v48 =	vld [tilespmem:s28+$0x7F60];
	v44 =	vmul.f32 v36, v63;
	[tilespmem:s28+$0x7EB0] =	vst v37  }
0xc5: {  	v49 =	vld [tilespmem:s28+$0x7F70];
	[tilespmem:s28+$0x7F00] =	vst v19;
	v19 =	vmul.f32 v41, v42  }
0xc6: {  	v51 =	vld [tilespmem:s28+$0x7F80];
	[tilespmem:s28+$0x7EF0] =	vst v44;
	v53 =	vmul.f32 v46, v42  }
0xc7: {  	v52 =	vld [tilespmem:s28+$0x7F90];
	[tilespmem:s28+$0x7F20] =	vst v19;
	v19 =	vmul.f32 v45, v42  }
0xc8: {  	v54 =	vld [tilespmem:s28+$0x7FA0];
	v50 =	vmul.f32 v43, v42;
	[tilespmem:s28+$0x7F50] =	vst v53  }
0xc9: {  	v18 =	vperm.xlane v18, v16;
	v55 =	vld [tilespmem:s28+$0x7FB0];
	[tilespmem:s28+$0x7F40] =	vst v19;
	v19 =	vmul.f32 v48, v42  }
0xca: {  	v57 =	vld [tilespmem:s28+$0x7FC0];
	v56 =	vmul.f32 v49, v42;
	[tilespmem:s28+$0x7F30] =	vst v50  }
0xcb: {  	v58 =	vld [tilespmem:s28+$0x7FD0];
	[tilespmem:s28+$0x7F60] =	vst v19;
	v19 =	vmul.f32 v51, v18  }
0xcc: {  	v60 =	vld [tilespmem:s28+$0x7FE0];
	v59 =	vmul.f32 v52, v18;
	[tilespmem:s28+$0x7F70] =	vst v56  }
0xcd: {  	v61 =	vld [tilespmem:s28+$0x7FF0];
	[tilespmem:s28+$0x7F80] =	vst v19;
	v19 =	vmul.f32 v54, v18  }
0xce: {  	[tilespmem:s28+$0x7F90] =	vst v59;
	v62 =	vmul.f32 v55, v18  }
0xcf: {  	p0 =	sne.s32 s26, $0x7;
	[tilespmem:s28+$0x7FA0] =	vst v19;
	v19 =	vmul.f32 v57, v18  }
.Ltmp1:
0xd0: {  	[tilespmem:s28+$0x7FB0] =	vst v62;
	v63 =	vmul.f32 v58, v18;
	(pc) =	sbr.rel @p0 .LBB2_5-.Ltmp1, $4  }
0xd1: {  	[tilespmem:s28+$0x7FC0] =	vst v19;
	v19 =	vmul.f32 v60, v18  }
0xd2: {  	[tilespmem:s28+$0x7FD0] =	vst v63;
	v18 =	vmul.f32 v61, v18  }
0xd3: {  	[tilespmem:s28+$0x7FE0] =	vst v19  }
0xd4: {  	s26 =	sadd.s32 $0x1, s26;
	[tilespmem:s28+$0x7FF0] =	vst v18  }
0xd5: {  	s24 =	sadd.s32 $0x1, s24  }
0xd6: {  	p0 =	sne.s32 s24, $0x4F  }
.Ltmp2:
0xd7: {  	s25 =	sadd.s32 $0x2800, s25;
	(pc) =	sbr.rel @p0 .LBB2_4-.Ltmp2, $4  }
0xd8: {  	[spmem:s3] =	stream.indirect.scatter.add.f32 [tilespmem:s18], [sflag:$0x2], $0x80, s25, s19, $0xb8;
	[tilespmem:$0x1F800] =	vst v63  }
0xd9: {  	_ =	swait.ge [sflag:s15], $0x4000  }
0xda: {  	[sflag:s15] =	ssyncset.done $0x0  }
0xdb: {  	[sflag:s15] =	ssyncadd.s32 $0xFFFFC000  }
0xdc: {  	s23 =	sadd.s32 $0x1, s23  }
0xdd: {  	p0 =	sne.s32 s23, s14  }
.Ltmp3:
0xde: {  	[bflag:$0x0] =	sbarrier.arrive $0xFFFF;
	(pc) =	sbr.rel @p0 .LBB2_1-.Ltmp3, $4  }
0xdf: {  	[hbm:s13], [sflag:s21] =	dma.local [spmem:s22], $0x2800  }
0xe0: {  	_ =	swait.ge [sflag:s15], $0x2800  }
0xe1: {  	[sflag:s15] =	ssyncset.done $0x0  }
0xe2: {  	[sflag:s15] =	ssyncadd.s32 $0xFFFFD800  }
0xe3: {  	_ =	sfence.sel $0x180000  }
0xe4: {  	[bflag:$0x0] =	sbarrier.arrive $0xFFFF  }
0xe5: {  	p0 =	sne.s32 s2, $0x0;
	_ =	strace $0x90000047  }
0xe6: {  	s0 =	sadd.s32 @!p0 $0x100000, s0;
	[bflag:$0x2] =	sbarrier.arrive $0xFFFF  }
0xe7: {  	[sflag:s0] =	ssyncadd.tile.s32 @!p0 $0x1;
	_ =	shalt  }
.Lfunc_end2:
_tile_overlayer_lowered:
.L_overlay_start_2:
0xe8: {  	(tag) =	ssettag $0x2  }
0xe9: {  	s0 =	rddreg [dreg:$0x0];
	s2 =	stileid.u32  }
0xea: {  	s1 =	rddreg [dreg:$0x1];
	p0 =	sne.s32 s2, $0x0  }
0xeb: {  	s3 =	rddreg [dreg:$0x2];
	[bflag:$0x3] =	sbarrier.arrive $0xFFFF;
	s2 =	simm.s32 @!p0 $0x1C02  }
0xec: {  	[timem:s3], [sflag:s2] =	dma.local @!p0 [hbm:s0], s1  }
0xed: {  	s0 =	simm.s32 @!p0 $0x2  }
0xee: {  	_ =	swait.ge @!p0 [sflag:s0], s1  }
0xef: {  	s1 =	ssub.s32 @!p0 $0x0, s1;
	[sflag:s0] =	ssyncset.done @!p0 $0x0  }
0xf0: {  	[sflag:s0] =	ssyncadd.s32 @!p0 s1  }
0xf1: {  	[bflag:$0x3] =	sbarrier.arrive $0xFFFF  }
0xf2: {  	_ =	shalt  }

</sc_bundles>
